<compile_context>
chip_gen: v7x
topology: tpu7x:2x2x1
jax: 0.10.2.dev20260603
libtpu: 0.0.44.dev20260713+nightly
codegen_flags: <defaults>
</compile_context>

<pallas_src>
import jax
import jax.numpy as jnp
from jax import lax
from jax.experimental import pallas as pl
from jax.experimental.pallas import tpu as pltpu
from jax.experimental.pallas import tpu_sc as plsc

B = 16384
D = 128
NC = 2
NS = 16
NW = NC * NS
BPW = B // NW
CH = 128
NCH = BPW // CH
L = 16


def _sc_body(tri_hbm, ent_hbm, rel_hbm, out_hbm,
             idx_v,
             hrow0, rrow0, trow0, hrow1, rrow1, trow1,
             score_v, sem0, sem1):
    wid = lax.axis_index("s") * NC + lax.axis_index("c")
    base = wid * BPW
    pltpu.sync_copy(tri_hbm.at[pl.ds(3 * base, 3 * BPW)], idx_v)
    lane = lax.iota(jnp.int32, L)

    bufs = ((hrow0, rrow0, trow0, sem0), (hrow1, rrow1, trow1, sem1))

    def issue(k):
        hb, rb, tb, sem = bufs[k % 2]
        return (
            pltpu.async_copy(ent_hbm.at[idx_v.at[pl.ds(k * CH, CH)]],
                             hb, sem),
            pltpu.async_copy(rel_hbm.at[idx_v.at[pl.ds(BPW + k * CH, CH)]],
                             rb, sem),
            pltpu.async_copy(ent_hbm.at[idx_v.at[pl.ds(2 * BPW + k * CH, CH)]],
                             tb, sem),
        )

    def compute(k):
        hb, rb, tb, _ = bufs[k % 2]

        def group_body(g, carry2):
            def triple_body(i, res):
                row = g * L + i
                acc0 = jnp.zeros((L,), jnp.float32)
                acc1 = jnp.zeros((L,), jnp.float32)
                for c in range(0, D // L, 2):
                    h0 = hb[row, pl.ds(c * L, L)]
                    r0 = rb[row, pl.ds(c * L, L)]
                    t0 = tb[row, pl.ds(c * L, L)]
                    acc0 = acc0 + jnp.abs(h0 + r0 - t0)
                    h1 = hb[row, pl.ds((c + 1) * L, L)]
                    r1 = rb[row, pl.ds((c + 1) * L, L)]
                    t1 = tb[row, pl.ds((c + 1) * L, L)]
                    acc1 = acc1 + jnp.abs(h1 + r1 - t1)
                s = jnp.sum(acc0 + acc1)
                return jnp.where(lane == i, s, res)

            res = lax.fori_loop(0, L, triple_body,
                                jnp.zeros((L,), jnp.float32))
            score_v[pl.ds(k * CH + g * L, L)] = -res
            return carry2

        lax.fori_loop(0, CH // L, group_body, 0)

    pending = issue(0)
    for k in range(NCH):
        for cp in pending:
            cp.wait()
        if k + 1 < NCH:
            pending = issue(k + 1)
        compute(k)
    pltpu.sync_copy(score_v, out_hbm.at[pl.ds(base, BPW)])


@jax.jit
def kernel(triples, ent_emb, rel_emb):
    tri = triples.reshape(NW, BPW, 3).transpose(0, 2, 1).reshape(3 * B)
    mesh = plsc.VectorSubcoreMesh(core_axis_name="c", subcore_axis_name="s")
    run = pl.kernel(
        _sc_body,
        out_type=jax.ShapeDtypeStruct((B,), jnp.float32),
        mesh=mesh,
        compiler_params=pltpu.CompilerParams(needs_layout_passes=False),
        scratch_types=[
            pltpu.VMEM((3 * BPW,), jnp.int32),
            pltpu.VMEM((CH, D), jnp.float32),
            pltpu.VMEM((CH, D), jnp.float32),
            pltpu.VMEM((CH, D), jnp.float32),
            pltpu.VMEM((CH, D), jnp.float32),
            pltpu.VMEM((CH, D), jnp.float32),
            pltpu.VMEM((CH, D), jnp.float32),
            pltpu.VMEM((BPW,), jnp.float32),
            pltpu.SemaphoreType.DMA,
            pltpu.SemaphoreType.DMA,
        ],
    )
    return run(tri, ent_emb, rel_emb)

# --- scband reference (transcript-rebuilt; emitter-appended) ---
"""Pipeline reference for scband-gtrans-e-63196148793601 (READ-ONLY COPY).

The authoritative reference and input builder live on the scoring server;
editing this copy changes nothing except your own understanding.
"""

import jax, jax.numpy as jnp
import numpy as np

NUM_ENT = 100000
NUM_REL = 1000
EMB_DIM = 128
MARGIN = 9.0
EPSILON = 2.0
EMB_RANGE = (MARGIN + EPSILON) / EMB_DIM


def setup_inputs(seed: int = 0) -> dict:
    key = jax.random.key(seed)
    k1, k2, k3 = jax.random.split(key, 3)
    triples = jax.random.randint(k1, (16384, 3), 0, 1000, dtype=jnp.int64 if jax.config.jax_enable_x64 else jnp.int32).astype(jnp.int32)
    ent_emb = jax.random.uniform(k2, (NUM_ENT, EMB_DIM), dtype=jnp.float32, minval=-EMB_RANGE, maxval=EMB_RANGE)
    rel_emb = jax.random.uniform(k3, (NUM_REL, EMB_DIM), dtype=jnp.float32, minval=-EMB_RANGE, maxval=EMB_RANGE)
    return {"triples": triples, "ent_emb": ent_emb, "rel_emb": rel_emb}


def reference(triples, ent_emb, rel_emb):
    head_emb = jnp.take(ent_emb, triples[:, 0], axis=0)
    relation_emb = jnp.take(rel_emb, triples[:, 1], axis=0)
    tail_emb = jnp.take(ent_emb, triples[:, 2], axis=0)
    diff = head_emb + relation_emb - tail_emb
    score = -jnp.sum(jnp.abs(diff), axis=-1)  # p=1 norm
    return score

if __name__ == "__main__":
    import jax
    _d = setup_inputs()
    print(jax.jit(kernel)(*tuple(_d.values())))

</pallas_src>

<mosaic_0001>
#map = affine_map<(d0, d1) -> (0)>
#map1 = affine_map<(d0, d1) -> (0, 0)>
module attributes {stable_mosaic.version = 14 : i64} {
  func.func @_sc_body(%arg0: i32, %arg1: i32, %arg2: memref<49152xi32, #tpu.memory_space<hbm>>, %arg3: memref<100000x128xf32, #tpu.memory_space<hbm>>, %arg4: memref<1000x128xf32, #tpu.memory_space<hbm>>, %arg5: memref<16384xf32, #tpu.memory_space<hbm>>, %arg6: memref<1536xi32, #tpu.memory_space<vmem>>, %arg7: memref<128x128xf32, #tpu.memory_space<vmem>>, %arg8: memref<128x128xf32, #tpu.memory_space<vmem>>, %arg9: memref<128x128xf32, #tpu.memory_space<vmem>>, %arg10: memref<128x128xf32, #tpu.memory_space<vmem>>, %arg11: memref<128x128xf32, #tpu.memory_space<vmem>>, %arg12: memref<128x128xf32, #tpu.memory_space<vmem>>, %arg13: memref<512xf32, #tpu.memory_space<vmem>>, %arg14: memref<!tpu.dma_semaphore, #tpu.memory_space<semaphore_mem>>, %arg15: memref<!tpu.dma_semaphore, #tpu.memory_space<semaphore_mem>>) attributes {dimension_semantics = [#tpu.dimension_semantics<core_parallel>, #tpu.dimension_semantics<subcore_parallel>], iteration_bounds = array<i64: 2, 16>, scalar_prefetch = 0 : i64, scratch_operands = 10 : i64, tpu.core_type = #tpu.core_type<sc_vector_subcore>, window_params = [{transform_indices = #map}, {transform_indices = #map1}, {transform_indices = #map1}, {transform_indices = #map}]} {
    %mul3A = arith.constant 2 : i32
    %mul3A_0 = arith.muli %arg1, %mul3A : i32
    %add3A = arith.addi %mul3A_0, %arg0 : i32
    %mul3A_1 = arith.constant 512 : i32
    %mul3A_2 = arith.muli %add3A, %mul3A_1 : i32
    %mul3A_3 = arith.constant 3 : i32
    %mul3A_4 = arith.muli %mul3A_3, %mul3A_2 : i32
    "tpu.region"() ({
      %run_scoped3A = tpu.sem_alloc : memref<!tpu.dma_semaphore, #tpu.memory_space<semaphore_mem>>
      %dma_start3A_146 = tpu.memref_slice %arg2[%mul3A_4] : memref<49152xi32, #tpu.memory_space<hbm>> -> memref<1536xi32, #tpu.memory_space<hbm>>
      %dma_start3A_147 = tpu.memref_slice %arg2[%mul3A_4] : memref<49152xi32, #tpu.memory_space<hbm>> -> memref<1536xi32, #tpu.memory_space<hbm>>
      tpu.enqueue_dma source(%dma_start3A_147 : memref<1536xi32, #tpu.memory_space<hbm>>) target(%arg6 : memref<1536xi32, #tpu.memory_space<vmem>>) target_semaphore(%run_scoped3A : memref<!tpu.dma_semaphore, #tpu.memory_space<semaphore_mem>>)
      %dma_wait3A_148 = tpu.memref_slice %arg2[%mul3A_4] : memref<49152xi32, #tpu.memory_space<hbm>> -> memref<1536xi32, #tpu.memory_space<hbm>>
      %dma_wait3A_149 = tpu.memref_slice %arg2[%mul3A_4] : memref<49152xi32, #tpu.memory_space<hbm>> -> memref<1536xi32, #tpu.memory_space<hbm>>
      tpu.wait_dma2 semaphore(%run_scoped3A : memref<!tpu.dma_semaphore, #tpu.memory_space<semaphore_mem>>) src(%dma_wait3A_149 : memref<1536xi32, #tpu.memory_space<hbm>>) dst(%arg6 : memref<1536xi32, #tpu.memory_space<vmem>>)
      tpu.yield
    }) : () -> ()
    %iota3A = tpu.iota {dimensions = array<i32: 0>} : vector<16xi32>
    %dma_start3A = arith.constant 0 : i32
    %dma_start3A_5 = tpu.memref_slice %arg6[%dma_start3A] : memref<1536xi32, #tpu.memory_space<vmem>> -> memref<128xi32, #tpu.memory_space<vmem>>
    %dma_start3A_6 = arith.constant 0 : i32
    %dma_start3A_7 = arith.constant 0 : i32
    %dma_start3A_8 = tpu.memref_slice %arg3[%dma_start3A_6, %dma_start3A_7] : memref<100000x128xf32, #tpu.memory_space<hbm>> -> memref<100000x128xf32, #tpu.memory_space<hbm>>
    tpu.enqueue_indirect_dma source(%dma_start3A_8 : memref<100000x128xf32, #tpu.memory_space<hbm>>) target(%arg7 : memref<128x128xf32, #tpu.memory_space<vmem>>) offsets(%dma_start3A_5 : memref<128xi32, #tpu.memory_space<vmem>>) semaphore(%arg14 : memref<!tpu.dma_semaphore, #tpu.memory_space<semaphore_mem>>)
    %dma_start3A_9 = arith.constant 512 : i32
    %dma_start3A_10 = tpu.memref_slice %arg6[%dma_start3A_9] : memref<1536xi32, #tpu.memory_space<vmem>> -> memref<128xi32, #tpu.memory_space<vmem>>
    %dma_start3A_11 = arith.constant 0 : i32
    %dma_start3A_12 = arith.constant 0 : i32
    %dma_start3A_13 = tpu.memref_slice %arg4[%dma_start3A_11, %dma_start3A_12] : memref<1000x128xf32, #tpu.memory_space<hbm>> -> memref<1000x128xf32, #tpu.memory_space<hbm>>
    tpu.enqueue_indirect_dma source(%dma_start3A_13 : memref<1000x128xf32, #tpu.memory_space<hbm>>) target(%arg8 : memref<128x128xf32, #tpu.memory_space<vmem>>) offsets(%dma_start3A_10 : memref<128xi32, #tpu.memory_space<vmem>>) semaphore(%arg14 : memref<!tpu.dma_semaphore, #tpu.memory_space<semaphore_mem>>)
    %dma_start3A_14 = arith.constant 1024 : i32
    %dma_start3A_15 = tpu.memref_slice %arg6[%dma_start3A_14] : memref<1536xi32, #tpu.memory_space<vmem>> -> memref<128xi32, #tpu.memory_space<vmem>>
    %dma_start3A_16 = arith.constant 0 : i32
    %dma_start3A_17 = arith.constant 0 : i32
    %dma_start3A_18 = tpu.memref_slice %arg3[%dma_start3A_16, %dma_start3A_17] : memref<100000x128xf32, #tpu.memory_space<hbm>> -> memref<100000x128xf32, #tpu.memory_space<hbm>>
    tpu.enqueue_indirect_dma source(%dma_start3A_18 : memref<100000x128xf32, #tpu.memory_space<hbm>>) target(%arg9 : memref<128x128xf32, #tpu.memory_space<vmem>>) offsets(%dma_start3A_15 : memref<128xi32, #tpu.memory_space<vmem>>) semaphore(%arg14 : memref<!tpu.dma_semaphore, #tpu.memory_space<semaphore_mem>>)
    %dma_wait3A = arith.constant 0 : i32
    %dma_wait3A_19 = tpu.memref_slice %arg6[%dma_wait3A] : memref<1536xi32, #tpu.memory_space<vmem>> -> memref<128xi32, #tpu.memory_space<vmem>>
    %dma_wait3A_20 = arith.constant 0 : i32
    %dma_wait3A_21 = arith.constant 0 : i32
    %dma_wait3A_22 = tpu.memref_slice %arg3[%dma_wait3A_20, %dma_wait3A_21] : memref<100000x128xf32, #tpu.memory_space<hbm>> -> memref<100000x128xf32, #tpu.memory_space<hbm>>
    tpu.wait_indirect_dma semaphore(%arg14 : memref<!tpu.dma_semaphore, #tpu.memory_space<semaphore_mem>>) src(%dma_wait3A_22 : memref<100000x128xf32, #tpu.memory_space<hbm>>) dst(%arg7 : memref<128x128xf32, #tpu.memory_space<vmem>>)
    %dma_wait3A_23 = arith.constant 512 : i32
    %dma_wait3A_24 = tpu.memref_slice %arg6[%dma_wait3A_23] : memref<1536xi32, #tpu.memory_space<vmem>> -> memref<128xi32, #tpu.memory_space<vmem>>
    %dma_wait3A_25 = arith.constant 0 : i32
    %dma_wait3A_26 = arith.constant 0 : i32
    %dma_wait3A_27 = tpu.memref_slice %arg4[%dma_wait3A_25, %dma_wait3A_26] : memref<1000x128xf32, #tpu.memory_space<hbm>> -> memref<1000x128xf32, #tpu.memory_space<hbm>>
    tpu.wait_indirect_dma semaphore(%arg14 : memref<!tpu.dma_semaphore, #tpu.memory_space<semaphore_mem>>) src(%dma_wait3A_27 : memref<1000x128xf32, #tpu.memory_space<hbm>>) dst(%arg8 : memref<128x128xf32, #tpu.memory_space<vmem>>)
    %dma_wait3A_28 = arith.constant 1024 : i32
    %dma_wait3A_29 = tpu.memref_slice %arg6[%dma_wait3A_28] : memref<1536xi32, #tpu.memory_space<vmem>> -> memref<128xi32, #tpu.memory_space<vmem>>
    %dma_wait3A_30 = arith.constant 0 : i32
    %dma_wait3A_31 = arith.constant 0 : i32
    %dma_wait3A_32 = tpu.memref_slice %arg3[%dma_wait3A_30, %dma_wait3A_31] : memref<100000x128xf32, #tpu.memory_space<hbm>> -> memref<100000x128xf32, #tpu.memory_space<hbm>>
    tpu.wait_indirect_dma semaphore(%arg14 : memref<!tpu.dma_semaphore, #tpu.memory_space<semaphore_mem>>) src(%dma_wait3A_32 : memref<100000x128xf32, #tpu.memory_space<hbm>>) dst(%arg9 : memref<128x128xf32, #tpu.memory_space<vmem>>)
    %dma_start3A_33 = arith.constant 128 : i32
    %dma_start3A_34 = tpu.memref_slice %arg6[%dma_start3A_33] : memref<1536xi32, #tpu.memory_space<vmem>> -> memref<128xi32, #tpu.memory_space<vmem>>
    %dma_start3A_35 = arith.constant 0 : i32
    %dma_start3A_36 = arith.constant 0 : i32
    %dma_start3A_37 = tpu.memref_slice %arg3[%dma_start3A_35, %dma_start3A_36] : memref<100000x128xf32, #tpu.memory_space<hbm>> -> memref<100000x128xf32, #tpu.memory_space<hbm>>
    tpu.enqueue_indirect_dma source(%dma_start3A_37 : memref<100000x128xf32, #tpu.memory_space<hbm>>) target(%arg10 : memref<128x128xf32, #tpu.memory_space<vmem>>) offsets(%dma_start3A_34 : memref<128xi32, #tpu.memory_space<vmem>>) semaphore(%arg15 : memref<!tpu.dma_semaphore, #tpu.memory_space<semaphore_mem>>)
    %dma_start3A_38 = arith.constant 640 : i32
    %dma_start3A_39 = tpu.memref_slice %arg6[%dma_start3A_38] : memref<1536xi32, #tpu.memory_space<vmem>> -> memref<128xi32, #tpu.memory_space<vmem>>
    %dma_start3A_40 = arith.constant 0 : i32
    %dma_start3A_41 = arith.constant 0 : i32
    %dma_start3A_42 = tpu.memref_slice %arg4[%dma_start3A_40, %dma_start3A_41] : memref<1000x128xf32, #tpu.memory_space<hbm>> -> memref<1000x128xf32, #tpu.memory_space<hbm>>
    tpu.enqueue_indirect_dma source(%dma_start3A_42 : memref<1000x128xf32, #tpu.memory_space<hbm>>) target(%arg11 : memref<128x128xf32, #tpu.memory_space<vmem>>) offsets(%dma_start3A_39 : memref<128xi32, #tpu.memory_space<vmem>>) semaphore(%arg15 : memref<!tpu.dma_semaphore, #tpu.memory_space<semaphore_mem>>)
    %dma_start3A_43 = arith.constant 1152 : i32
    %dma_start3A_44 = tpu.memref_slice %arg6[%dma_start3A_43] : memref<1536xi32, #tpu.memory_space<vmem>> -> memref<128xi32, #tpu.memory_space<vmem>>
    %dma_start3A_45 = arith.constant 0 : i32
    %dma_start3A_46 = arith.constant 0 : i32
    %dma_start3A_47 = tpu.memref_slice %arg3[%dma_start3A_45, %dma_start3A_46] : memref<100000x128xf32, #tpu.memory_space<hbm>> -> memref<100000x128xf32, #tpu.memory_space<hbm>>
    tpu.enqueue_indirect_dma source(%dma_start3A_47 : memref<100000x128xf32, #tpu.memory_space<hbm>>) target(%arg12 : memref<128x128xf32, #tpu.memory_space<vmem>>) offsets(%dma_start3A_44 : memref<128xi32, #tpu.memory_space<vmem>>) semaphore(%arg15 : memref<!tpu.dma_semaphore, #tpu.memory_space<semaphore_mem>>)
    %scan3A = arith.constant 0 : i32
    %scan3A_48 = arith.constant 0 : i32
    %scan3A_49 = arith.constant 8 : i32
    %scan3A_50 = arith.addi %scan3A_48, %scan3A_49 : i32
    %scan3A_51 = arith.constant 1 : i32
    scf.for %scan3A_146 = %scan3A_48 to %scan3A_50 step %scan3A_51  : i32 {
      %broadcast_in_dim3A = arith.constant 0.000000e+00 : f32
      %broadcast_in_dim3A_147 = vector.broadcast %broadcast_in_dim3A : f32 to vector<16xf32>
      %scan3A_148 = arith.constant 0 : i32
      %scan3A_149 = arith.constant 16 : i32
      %scan3A_150 = arith.addi %scan3A_148, %scan3A_149 : i32
      %scan3A_151 = arith.constant 1 : i32
      %scan3A_152 = scf.for %scan3A_161 = %scan3A_148 to %scan3A_150 step %scan3A_151 iter_args(%scan3A_162 = %broadcast_in_dim3A_147) -> (vector<16xf32>)  : i32 {
        %mul3A_163 = arith.constant 16 : i32
        %mul3A_164 = arith.muli %scan3A_146, %mul3A_163 : i32
        %add3A_165 = arith.addi %mul3A_164, %scan3A_161 : i32
        %broadcast_in_dim3A_166 = arith.constant 0.000000e+00 : f32
        %broadcast_in_dim3A_167 = vector.broadcast %broadcast_in_dim3A_166 : f32 to vector<16xf32>
        %broadcast_in_dim3A_168 = arith.constant 0.000000e+00 : f32
        %broadcast_in_dim3A_169 = vector.broadcast %broadcast_in_dim3A_168 : f32 to vector<16xf32>
        %get3A = arith.index_cast %add3A_165 : i32 to index
        %get3A_170 = arith.constant 0 : index
        %get3A_171 = tpu.vector_load %arg7[%get3A, %get3A_170] {strides = array<i32>} : memref<128x128xf32, #tpu.memory_space<vmem>>, vector<16xf32>,
        %get3A_172 = arith.index_cast %add3A_165 : i32 to index
        %get3A_173 = arith.constant 0 : index
        %get3A_174 = tpu.vector_load %arg8[%get3A_172, %get3A_173] {strides = array<i32>} : memref<128x128xf32, #tpu.memory_space<vmem>>, vector<16xf32>,
        %get3A_175 = arith.index_cast %add3A_165 : i32 to index
        %get3A_176 = arith.constant 0 : index
        %get3A_177 = tpu.vector_load %arg9[%get3A_175, %get3A_176] {strides = array<i32>} : memref<128x128xf32, #tpu.memory_space<vmem>>, vector<16xf32>,
        %add3A_178 = arith.addf %get3A_171, %get3A_174 : vector<16xf32>
        %sub3A = arith.subf %add3A_178, %get3A_177 : vector<16xf32>
        %abs3A = math.absf %sub3A : vector<16xf32>
        %add3A_179 = arith.addf %broadcast_in_dim3A_167, %abs3A : vector<16xf32>
        %get3A_180 = arith.index_cast %add3A_165 : i32 to index
        %get3A_181 = arith.constant 16 : index
        %get3A_182 = tpu.vector_load %arg7[%get3A_180, %get3A_181] {strides = array<i32>} : memref<128x128xf32, #tpu.memory_space<vmem>>, vector<16xf32>,
        %get3A_183 = arith.index_cast %add3A_165 : i32 to index
        %get3A_184 = arith.constant 16 : index
        %get3A_185 = tpu.vector_load %arg8[%get3A_183, %get3A_184] {strides = array<i32>} : memref<128x128xf32, #tpu.memory_space<vmem>>, vector<16xf32>,
        %get3A_186 = arith.index_cast %add3A_165 : i32 to index
        %get3A_187 = arith.constant 16 : index
        %get3A_188 = tpu.vector_load %arg9[%get3A_186, %get3A_187] {strides = array<i32>} : memref<128x128xf32, #tpu.memory_space<vmem>>, vector<16xf32>,
        %add3A_189 = arith.addf %get3A_182, %get3A_185 : vector<16xf32>
        %sub3A_190 = arith.subf %add3A_189, %get3A_188 : vector<16xf32>
        %abs3A_191 = math.absf %sub3A_190 : vector<16xf32>
        %add3A_192 = arith.addf %broadcast_in_dim3A_169, %abs3A_191 : vector<16xf32>
        %get3A_193 = arith.index_cast %add3A_165 : i32 to index
        %get3A_194 = arith.constant 32 : index
        %get3A_195 = tpu.vector_load %arg7[%get3A_193, %get3A_194] {strides = array<i32>} : memref<128x128xf32, #tpu.memory_space<vmem>>, vector<16xf32>,
        %get3A_196 = arith.index_cast %add3A_165 : i32 to index
        %get3A_197 = arith.constant 32 : index
        %get3A_198 = tpu.vector_load %arg8[%get3A_196, %get3A_197] {strides = array<i32>} : memref<128x128xf32, #tpu.memory_space<vmem>>, vector<16xf32>,
        %get3A_199 = arith.index_cast %add3A_165 : i32 to index
        %get3A_200 = arith.constant 32 : index
        %get3A_201 = tpu.vector_load %arg9[%get3A_199, %get3A_200] {strides = array<i32>} : memref<128x128xf32, #tpu.memory_space<vmem>>, vector<16xf32>,
        %add3A_202 = arith.addf %get3A_195, %get3A_198 : vector<16xf32>
        %sub3A_203 = arith.subf %add3A_202, %get3A_201 : vector<16xf32>
        %abs3A_204 = math.absf %sub3A_203 : vector<16xf32>
        %add3A_205 = arith.addf %add3A_179, %abs3A_204 : vector<16xf32>
        %get3A_206 = arith.index_cast %add3A_165 : i32 to index
        %get3A_207 = arith.constant 48 : index
        %get3A_208 = tpu.vector_load %arg7[%get3A_206, %get3A_207] {strides = array<i32>} : memref<128x128xf32, #tpu.memory_space<vmem>>, vector<16xf32>,
        %get3A_209 = arith.index_cast %add3A_165 : i32 to index
        %get3A_210 = arith.constant 48 : index
        %get3A_211 = tpu.vector_load %arg8[%get3A_209, %get3A_210] {strides = array<i32>} : memref<128x128xf32, #tpu.memory_space<vmem>>, vector<16xf32>,
        %get3A_212 = arith.index_cast %add3A_165 : i32 to index
        %get3A_213 = arith.constant 48 : index
        %get3A_214 = tpu.vector_load %arg9[%get3A_212, %get3A_213] {strides = array<i32>} : memref<128x128xf32, #tpu.memory_space<vmem>>, vector<16xf32>,
        %add3A_215 = arith.addf %get3A_208, %get3A_211 : vector<16xf32>
        %sub3A_216 = arith.subf %add3A_215, %get3A_214 : vector<16xf32>
        %abs3A_217 = math.absf %sub3A_216 : vector<16xf32>
        %add3A_218 = arith.addf %add3A_192, %abs3A_217 : vector<16xf32>
        %get3A_219 = arith.index_cast %add3A_165 : i32 to index
        %get3A_220 = arith.constant 64 : index
        %get3A_221 = tpu.vector_load %arg7[%get3A_219, %get3A_220] {strides = array<i32>} : memref<128x128xf32, #tpu.memory_space<vmem>>, vector<16xf32>,
        %get3A_222 = arith.index_cast %add3A_165 : i32 to index
        %get3A_223 = arith.constant 64 : index
        %get3A_224 = tpu.vector_load %arg8[%get3A_222, %get3A_223] {strides = array<i32>} : memref<128x128xf32, #tpu.memory_space<vmem>>, vector<16xf32>,
        %get3A_225 = arith.index_cast %add3A_165 : i32 to index
        %get3A_226 = arith.constant 64 : index
        %get3A_227 = tpu.vector_load %arg9[%get3A_225, %get3A_226] {strides = array<i32>} : memref<128x128xf32, #tpu.memory_space<vmem>>, vector<16xf32>,
        %add3A_228 = arith.addf %get3A_221, %get3A_224 : vector<16xf32>
        %sub3A_229 = arith.subf %add3A_228, %get3A_227 : vector<16xf32>
        %abs3A_230 = math.absf %sub3A_229 : vector<16xf32>
        %add3A_231 = arith.addf %add3A_205, %abs3A_230 : vector<16xf32>
        %get3A_232 = arith.index_cast %add3A_165 : i32 to index
        %get3A_233 = arith.constant 80 : index
        %get3A_234 = tpu.vector_load %arg7[%get3A_232, %get3A_233] {strides = array<i32>} : memref<128x128xf32, #tpu.memory_space<vmem>>, vector<16xf32>,
        %get3A_235 = arith.index_cast %add3A_165 : i32 to index
        %get3A_236 = arith.constant 80 : index
        %get3A_237 = tpu.vector_load %arg8[%get3A_235, %get3A_236] {strides = array<i32>} : memref<128x128xf32, #tpu.memory_space<vmem>>, vector<16xf32>,
        %get3A_238 = arith.index_cast %add3A_165 : i32 to index
        %get3A_239 = arith.constant 80 : index
        %get3A_240 = tpu.vector_load %arg9[%get3A_238, %get3A_239] {strides = array<i32>} : memref<128x128xf32, #tpu.memory_space<vmem>>, vector<16xf32>,
        %add3A_241 = arith.addf %get3A_234, %get3A_237 : vector<16xf32>
        %sub3A_242 = arith.subf %add3A_241, %get3A_240 : vector<16xf32>
        %abs3A_243 = math.absf %sub3A_242 : vector<16xf32>
        %add3A_244 = arith.addf %add3A_218, %abs3A_243 : vector<16xf32>
        %get3A_245 = arith.index_cast %add3A_165 : i32 to index
        %get3A_246 = arith.constant 96 : index
        %get3A_247 = tpu.vector_load %arg7[%get3A_245, %get3A_246] {strides = array<i32>} : memref<128x128xf32, #tpu.memory_space<vmem>>, vector<16xf32>,
        %get3A_248 = arith.index_cast %add3A_165 : i32 to index
        %get3A_249 = arith.constant 96 : index
        %get3A_250 = tpu.vector_load %arg8[%get3A_248, %get3A_249] {strides = array<i32>} : memref<128x128xf32, #tpu.memory_space<vmem>>, vector<16xf32>,
        %get3A_251 = arith.index_cast %add3A_165 : i32 to index
        %get3A_252 = arith.constant 96 : index
        %get3A_253 = tpu.vector_load %arg9[%get3A_251, %get3A_252] {strides = array<i32>} : memref<128x128xf32, #tpu.memory_space<vmem>>, vector<16xf32>,
        %add3A_254 = arith.addf %get3A_247, %get3A_250 : vector<16xf32>
        %sub3A_255 = arith.subf %add3A_254, %get3A_253 : vector<16xf32>
        %abs3A_256 = math.absf %sub3A_255 : vector<16xf32>
        %add3A_257 = arith.addf %add3A_231, %abs3A_256 : vector<16xf32>
        %get3A_258 = arith.index_cast %add3A_165 : i32 to index
        %get3A_259 = arith.constant 112 : index
        %get3A_260 = tpu.vector_load %arg7[%get3A_258, %get3A_259] {strides = array<i32>} : memref<128x128xf32, #tpu.memory_space<vmem>>, vector<16xf32>,
        %get3A_261 = arith.index_cast %add3A_165 : i32 to index
        %get3A_262 = arith.constant 112 : index
        %get3A_263 = tpu.vector_load %arg8[%get3A_261, %get3A_262] {strides = array<i32>} : memref<128x128xf32, #tpu.memory_space<vmem>>, vector<16xf32>,
        %get3A_264 = arith.index_cast %add3A_165 : i32 to index
        %get3A_265 = arith.constant 112 : index
        %get3A_266 = tpu.vector_load %arg9[%get3A_264, %get3A_265] {strides = array<i32>} : memref<128x128xf32, #tpu.memory_space<vmem>>, vector<16xf32>,
        %add3A_267 = arith.addf %get3A_260, %get3A_263 : vector<16xf32>
        %sub3A_268 = arith.subf %add3A_267, %get3A_266 : vector<16xf32>
        %abs3A_269 = math.absf %sub3A_268 : vector<16xf32>
        %add3A_270 = arith.addf %add3A_244, %abs3A_269 : vector<16xf32>
        %add3A_271 = arith.addf %add3A_257, %add3A_270 : vector<16xf32>
        %reduce_sum3A = arith.constant true
        %reduce_sum3A_272 = vector.broadcast %reduce_sum3A : i1 to vector<16xi1>
        %reduce_sum3A_273 = tpu.scan <sum>, %add3A_271 masked %reduce_sum3A_272 : vector<16xf32>, vector<16xi1> -> vector<16xf32>
        %reduce_sum3A_274 = vector.extract %reduce_sum3A_273[15] : f32 from vector<16xf32>
        %eq3A = vector.broadcast %scan3A_161 : i32 to vector<16xi32>
        %eq3A_275 = arith.cmpi eq, %iota3A, %eq3A : vector<16xi32>
        %broadcast_in_dim3A_276 = vector.broadcast %reduce_sum3A_274 : f32 to vector<16xf32>
        %select_n3A = arith.select %eq3A_275, %broadcast_in_dim3A_276, %scan3A_162 : vector<16xi1>, vector<16xf32>
        scf.yield %select_n3A : vector<16xf32>
      }
      %scan3A_153 = arith.constant 16 : i32
      %neg3A = arith.constant 0.000000e+00 : f32
      %neg3A_154 = vector.broadcast %neg3A : f32 to vector<16xf32>
      %neg3A_155 = arith.subf %neg3A_154, %scan3A_152 : vector<16xf32>
      %mul3A_156 = arith.constant 16 : i32
      %mul3A_157 = arith.muli %scan3A_146, %mul3A_156 : i32
      %add3A_158 = arith.constant 0 : i32
      %add3A_159 = arith.addi %add3A_158, %mul3A_157 : i32
      %swap3A = arith.index_cast %add3A_159 : i32 to index
      %swap3A_160 = tpu.vector_load %arg13[%swap3A] {strides = array<i32>} : memref<512xf32, #tpu.memory_space<vmem>>, vector<16xf32>,
      tpu.vector_store %arg13[%swap3A], %neg3A_155 {strides = array<i32>} : memref<512xf32, #tpu.memory_space<vmem>>, vector<16xf32>,
    }
    %scan3A_52 = arith.constant 8 : i32
    %dma_wait3A_53 = arith.constant 128 : i32
    %dma_wait3A_54 = tpu.memref_slice %arg6[%dma_wait3A_53] : memref<1536xi32, #tpu.memory_space<vmem>> -> memref<128xi32, #tpu.memory_space<vmem>>
    %dma_wait3A_55 = arith.constant 0 : i32
    %dma_wait3A_56 = arith.constant 0 : i32
    %dma_wait3A_57 = tpu.memref_slice %arg3[%dma_wait3A_55, %dma_wait3A_56] : memref<100000x128xf32, #tpu.memory_space<hbm>> -> memref<100000x128xf32, #tpu.memory_space<hbm>>
    tpu.wait_indirect_dma semaphore(%arg15 : memref<!tpu.dma_semaphore, #tpu.memory_space<semaphore_mem>>) src(%dma_wait3A_57 : memref<100000x128xf32, #tpu.memory_space<hbm>>) dst(%arg10 : memref<128x128xf32, #tpu.memory_space<vmem>>)
    %dma_wait3A_58 = arith.constant 640 : i32
    %dma_wait3A_59 = tpu.memref_slice %arg6[%dma_wait3A_58] : memref<1536xi32, #tpu.memory_space<vmem>> -> memref<128xi32, #tpu.memory_space<vmem>>
    %dma_wait3A_60 = arith.constant 0 : i32
    %dma_wait3A_61 = arith.constant 0 : i32
    %dma_wait3A_62 = tpu.memref_slice %arg4[%dma_wait3A_60, %dma_wait3A_61] : memref<1000x128xf32, #tpu.memory_space<hbm>> -> memref<1000x128xf32, #tpu.memory_space<hbm>>
    tpu.wait_indirect_dma semaphore(%arg15 : memref<!tpu.dma_semaphore, #tpu.memory_space<semaphore_mem>>) src(%dma_wait3A_62 : memref<1000x128xf32, #tpu.memory_space<hbm>>) dst(%arg11 : memref<128x128xf32, #tpu.memory_space<vmem>>)
    %dma_wait3A_63 = arith.constant 1152 : i32
    %dma_wait3A_64 = tpu.memref_slice %arg6[%dma_wait3A_63] : memref<1536xi32, #tpu.memory_space<vmem>> -> memref<128xi32, #tpu.memory_space<vmem>>
    %dma_wait3A_65 = arith.constant 0 : i32
    %dma_wait3A_66 = arith.constant 0 : i32
    %dma_wait3A_67 = tpu.memref_slice %arg3[%dma_wait3A_65, %dma_wait3A_66] : memref<100000x128xf32, #tpu.memory_space<hbm>> -> memref<100000x128xf32, #tpu.memory_space<hbm>>
    tpu.wait_indirect_dma semaphore(%arg15 : memref<!tpu.dma_semaphore, #tpu.memory_space<semaphore_mem>>) src(%dma_wait3A_67 : memref<100000x128xf32, #tpu.memory_space<hbm>>) dst(%arg12 : memref<128x128xf32, #tpu.memory_space<vmem>>)
    %dma_start3A_68 = arith.constant 256 : i32
    %dma_start3A_69 = tpu.memref_slice %arg6[%dma_start3A_68] : memref<1536xi32, #tpu.memory_space<vmem>> -> memref<128xi32, #tpu.memory_space<vmem>>
    %dma_start3A_70 = arith.constant 0 : i32
    %dma_start3A_71 = arith.constant 0 : i32
    %dma_start3A_72 = tpu.memref_slice %arg3[%dma_start3A_70, %dma_start3A_71] : memref<100000x128xf32, #tpu.memory_space<hbm>> -> memref<100000x128xf32, #tpu.memory_space<hbm>>
    tpu.enqueue_indirect_dma source(%dma_start3A_72 : memref<100000x128xf32, #tpu.memory_space<hbm>>) target(%arg7 : memref<128x128xf32, #tpu.memory_space<vmem>>) offsets(%dma_start3A_69 : memref<128xi32, #tpu.memory_space<vmem>>) semaphore(%arg14 : memref<!tpu.dma_semaphore, #tpu.memory_space<semaphore_mem>>)
    %dma_start3A_73 = arith.constant 768 : i32
    %dma_start3A_74 = tpu.memref_slice %arg6[%dma_start3A_73] : memref<1536xi32, #tpu.memory_space<vmem>> -> memref<128xi32, #tpu.memory_space<vmem>>
    %dma_start3A_75 = arith.constant 0 : i32
    %dma_start3A_76 = arith.constant 0 : i32
    %dma_start3A_77 = tpu.memref_slice %arg4[%dma_start3A_75, %dma_start3A_76] : memref<1000x128xf32, #tpu.memory_space<hbm>> -> memref<1000x128xf32, #tpu.memory_space<hbm>>
    tpu.enqueue_indirect_dma source(%dma_start3A_77 : memref<1000x128xf32, #tpu.memory_space<hbm>>) target(%arg8 : memref<128x128xf32, #tpu.memory_space<vmem>>) offsets(%dma_start3A_74 : memref<128xi32, #tpu.memory_space<vmem>>) semaphore(%arg14 : memref<!tpu.dma_semaphore, #tpu.memory_space<semaphore_mem>>)
    %dma_start3A_78 = arith.constant 1280 : i32
    %dma_start3A_79 = tpu.memref_slice %arg6[%dma_start3A_78] : memref<1536xi32, #tpu.memory_space<vmem>> -> memref<128xi32, #tpu.memory_space<vmem>>
    %dma_start3A_80 = arith.constant 0 : i32
    %dma_start3A_81 = arith.constant 0 : i32
    %dma_start3A_82 = tpu.memref_slice %arg3[%dma_start3A_80, %dma_start3A_81] : memref<100000x128xf32, #tpu.memory_space<hbm>> -> memref<100000x128xf32, #tpu.memory_space<hbm>>
    tpu.enqueue_indirect_dma source(%dma_start3A_82 : memref<100000x128xf32, #tpu.memory_space<hbm>>) target(%arg9 : memref<128x128xf32, #tpu.memory_space<vmem>>) offsets(%dma_start3A_79 : memref<128xi32, #tpu.memory_space<vmem>>) semaphore(%arg14 : memref<!tpu.dma_semaphore, #tpu.memory_space<semaphore_mem>>)
    %scan3A_83 = arith.constant 0 : i32
    %scan3A_84 = arith.constant 0 : i32
    %scan3A_85 = arith.constant 8 : i32
    %scan3A_86 = arith.addi %scan3A_84, %scan3A_85 : i32
    %scan3A_87 = arith.constant 1 : i32
    scf.for %scan3A_146 = %scan3A_84 to %scan3A_86 step %scan3A_87  : i32 {
      %broadcast_in_dim3A = arith.constant 0.000000e+00 : f32
      %broadcast_in_dim3A_147 = vector.broadcast %broadcast_in_dim3A : f32 to vector<16xf32>
      %scan3A_148 = arith.constant 0 : i32
      %scan3A_149 = arith.constant 16 : i32
      %scan3A_150 = arith.addi %scan3A_148, %scan3A_149 : i32
      %scan3A_151 = arith.constant 1 : i32
      %scan3A_152 = scf.for %scan3A_161 = %scan3A_148 to %scan3A_150 step %scan3A_151 iter_args(%scan3A_162 = %broadcast_in_dim3A_147) -> (vector<16xf32>)  : i32 {
        %mul3A_163 = arith.constant 16 : i32
        %mul3A_164 = arith.muli %scan3A_146, %mul3A_163 : i32
        %add3A_165 = arith.addi %mul3A_164, %scan3A_161 : i32
        %broadcast_in_dim3A_166 = arith.constant 0.000000e+00 : f32
        %broadcast_in_dim3A_167 = vector.broadcast %broadcast_in_dim3A_166 : f32 to vector<16xf32>
        %broadcast_in_dim3A_168 = arith.constant 0.000000e+00 : f32
        %broadcast_in_dim3A_169 = vector.broadcast %broadcast_in_dim3A_168 : f32 to vector<16xf32>
        %get3A = arith.index_cast %add3A_165 : i32 to index
        %get3A_170 = arith.constant 0 : index
        %get3A_171 = tpu.vector_load %arg10[%get3A, %get3A_170] {strides = array<i32>} : memref<128x128xf32, #tpu.memory_space<vmem>>, vector<16xf32>,
        %get3A_172 = arith.index_cast %add3A_165 : i32 to index
        %get3A_173 = arith.constant 0 : index
        %get3A_174 = tpu.vector_load %arg11[%get3A_172, %get3A_173] {strides = array<i32>} : memref<128x128xf32, #tpu.memory_space<vmem>>, vector<16xf32>,
        %get3A_175 = arith.index_cast %add3A_165 : i32 to index
        %get3A_176 = arith.constant 0 : index
        %get3A_177 = tpu.vector_load %arg12[%get3A_175, %get3A_176] {strides = array<i32>} : memref<128x128xf32, #tpu.memory_space<vmem>>, vector<16xf32>,
        %add3A_178 = arith.addf %get3A_171, %get3A_174 : vector<16xf32>
        %sub3A = arith.subf %add3A_178, %get3A_177 : vector<16xf32>
        %abs3A = math.absf %sub3A : vector<16xf32>
        %add3A_179 = arith.addf %broadcast_in_dim3A_167, %abs3A : vector<16xf32>
        %get3A_180 = arith.index_cast %add3A_165 : i32 to index
        %get3A_181 = arith.constant 16 : index
        %get3A_182 = tpu.vector_load %arg10[%get3A_180, %get3A_181] {strides = array<i32>} : memref<128x128xf32, #tpu.memory_space<vmem>>, vector<16xf32>,
        %get3A_183 = arith.index_cast %add3A_165 : i32 to index
        %get3A_184 = arith.constant 16 : index
        %get3A_185 = tpu.vector_load %arg11[%get3A_183, %get3A_184] {strides = array<i32>} : memref<128x128xf32, #tpu.memory_space<vmem>>, vector<16xf32>,
        %get3A_186 = arith.index_cast %add3A_165 : i32 to index
        %get3A_187 = arith.constant 16 : index
        %get3A_188 = tpu.vector_load %arg12[%get3A_186, %get3A_187] {strides = array<i32>} : memref<128x128xf32, #tpu.memory_space<vmem>>, vector<16xf32>,
        %add3A_189 = arith.addf %get3A_182, %get3A_185 : vector<16xf32>
        %sub3A_190 = arith.subf %add3A_189, %get3A_188 : vector<16xf32>
        %abs3A_191 = math.absf %sub3A_190 : vector<16xf32>
        %add3A_192 = arith.addf %broadcast_in_dim3A_169, %abs3A_191 : vector<16xf32>
        %get3A_193 = arith.index_cast %add3A_165 : i32 to index
        %get3A_194 = arith.constant 32 : index
        %get3A_195 = tpu.vector_load %arg10[%get3A_193, %get3A_194] {strides = array<i32>} : memref<128x128xf32, #tpu.memory_space<vmem>>, vector<16xf32>,
        %get3A_196 = arith.index_cast %add3A_165 : i32 to index
        %get3A_197 = arith.constant 32 : index
        %get3A_198 = tpu.vector_load %arg11[%get3A_196, %get3A_197] {strides = array<i32>} : memref<128x128xf32, #tpu.memory_space<vmem>>, vector<16xf32>,
        %get3A_199 = arith.index_cast %add3A_165 : i32 to index
        %get3A_200 = arith.constant 32 : index
        %get3A_201 = tpu.vector_load %arg12[%get3A_199, %get3A_200] {strides = array<i32>} : memref<128x128xf32, #tpu.memory_space<vmem>>, vector<16xf32>,
        %add3A_202 = arith.addf %get3A_195, %get3A_198 : vector<16xf32>
        %sub3A_203 = arith.subf %add3A_202, %get3A_201 : vector<16xf32>
        %abs3A_204 = math.absf %sub3A_203 : vector<16xf32>
        %add3A_205 = arith.addf %add3A_179, %abs3A_204 : vector<16xf32>
        %get3A_206 = arith.index_cast %add3A_165 : i32 to index
        %get3A_207 = arith.constant 48 : index
        %get3A_208 = tpu.vector_load %arg10[%get3A_206, %get3A_207] {strides = array<i32>} : memref<128x128xf32, #tpu.memory_space<vmem>>, vector<16xf32>,
        %get3A_209 = arith.index_cast %add3A_165 : i32 to index
        %get3A_210 = arith.constant 48 : index
        %get3A_211 = tpu.vector_load %arg11[%get3A_209, %get3A_210] {strides = array<i32>} : memref<128x128xf32, #tpu.memory_space<vmem>>, vector<16xf32>,
        %get3A_212 = arith.index_cast %add3A_165 : i32 to index
        %get3A_213 = arith.constant 48 : index
        %get3A_214 = tpu.vector_load %arg12[%get3A_212, %get3A_213] {strides = array<i32>} : memref<128x128xf32, #tpu.memory_space<vmem>>, vector<16xf32>,
        %add3A_215 = arith.addf %get3A_208, %get3A_211 : vector<16xf32>
        %sub3A_216 = arith.subf %add3A_215, %get3A_214 : vector<16xf32>
        %abs3A_217 = math.absf %sub3A_216 : vector<16xf32>
        %add3A_218 = arith.addf %add3A_192, %abs3A_217 : vector<16xf32>
        %get3A_219 = arith.index_cast %add3A_165 : i32 to index
        %get3A_220 = arith.constant 64 : index
        %get3A_221 = tpu.vector_load %arg10[%get3A_219, %get3A_220] {strides = array<i32>} : memref<128x128xf32, #tpu.memory_space<vmem>>, vector<16xf32>,
        %get3A_222 = arith.index_cast %add3A_165 : i32 to index
        %get3A_223 = arith.constant 64 : index
        %get3A_224 = tpu.vector_load %arg11[%get3A_222, %get3A_223] {strides = array<i32>} : memref<128x128xf32, #tpu.memory_space<vmem>>, vector<16xf32>,
        %get3A_225 = arith.index_cast %add3A_165 : i32 to index
        %get3A_226 = arith.constant 64 : index
        %get3A_227 = tpu.vector_load %arg12[%get3A_225, %get3A_226] {strides = array<i32>} : memref<128x128xf32, #tpu.memory_space<vmem>>, vector<16xf32>,
        %add3A_228 = arith.addf %get3A_221, %get3A_224 : vector<16xf32>
        %sub3A_229 = arith.subf %add3A_228, %get3A_227 : vector<16xf32>
        %abs3A_230 = math.absf %sub3A_229 : vector<16xf32>
        %add3A_231 = arith.addf %add3A_205, %abs3A_230 : vector<16xf32>
        %get3A_232 = arith.index_cast %add3A_165 : i32 to index
        %get3A_233 = arith.constant 80 : index
        %get3A_234 = tpu.vector_load %arg10[%get3A_232, %get3A_233] {strides = array<i32>} : memref<128x128xf32, #tpu.memory_space<vmem>>, vector<16xf32>,
        %get3A_235 = arith.index_cast %add3A_165 : i32 to index
        %get3A_236 = arith.constant 80 : index
        %get3A_237 = tpu.vector_load %arg11[%get3A_235, %get3A_236] {strides = array<i32>} : memref<128x128xf32, #tpu.memory_space<vmem>>, vector<16xf32>,
        %get3A_238 = arith.index_cast %add3A_165 : i32 to index
        %get3A_239 = arith.constant 80 : index
        %get3A_240 = tpu.vector_load %arg12[%get3A_238, %get3A_239] {strides = array<i32>} : memref<128x128xf32, #tpu.memory_space<vmem>>, vector<16xf32>,
        %add3A_241 = arith.addf %get3A_234, %get3A_237 : vector<16xf32>
        %sub3A_242 = arith.subf %add3A_241, %get3A_240 : vector<16xf32>
        %abs3A_243 = math.absf %sub3A_242 : vector<16xf32>
        %add3A_244 = arith.addf %add3A_218, %abs3A_243 : vector<16xf32>
        %get3A_245 = arith.index_cast %add3A_165 : i32 to index
        %get3A_246 = arith.constant 96 : index
        %get3A_247 = tpu.vector_load %arg10[%get3A_245, %get3A_246] {strides = array<i32>} : memref<128x128xf32, #tpu.memory_space<vmem>>, vector<16xf32>,
        %get3A_248 = arith.index_cast %add3A_165 : i32 to index
        %get3A_249 = arith.constant 96 : index
        %get3A_250 = tpu.vector_load %arg11[%get3A_248, %get3A_249] {strides = array<i32>} : memref<128x128xf32, #tpu.memory_space<vmem>>, vector<16xf32>,
        %get3A_251 = arith.index_cast %add3A_165 : i32 to index
        %get3A_252 = arith.constant 96 : index
        %get3A_253 = tpu.vector_load %arg12[%get3A_251, %get3A_252] {strides = array<i32>} : memref<128x128xf32, #tpu.memory_space<vmem>>, vector<16xf32>,
        %add3A_254 = arith.addf %get3A_247, %get3A_250 : vector<16xf32>
        %sub3A_255 = arith.subf %add3A_254, %get3A_253 : vector<16xf32>
        %abs3A_256 = math.absf %sub3A_255 : vector<16xf32>
        %add3A_257 = arith.addf %add3A_231, %abs3A_256 : vector<16xf32>
        %get3A_258 = arith.index_cast %add3A_165 : i32 to index
        %get3A_259 = arith.constant 112 : index
        %get3A_260 = tpu.vector_load %arg10[%get3A_258, %get3A_259] {strides = array<i32>} : memref<128x128xf32, #tpu.memory_space<vmem>>, vector<16xf32>,
        %get3A_261 = arith.index_cast %add3A_165 : i32 to index
        %get3A_262 = arith.constant 112 : index
        %get3A_263 = tpu.vector_load %arg11[%get3A_261, %get3A_262] {strides = array<i32>} : memref<128x128xf32, #tpu.memory_space<vmem>>, vector<16xf32>,
        %get3A_264 = arith.index_cast %add3A_165 : i32 to index
        %get3A_265 = arith.constant 112 : index
        %get3A_266 = tpu.vector_load %arg12[%get3A_264, %get3A_265] {strides = array<i32>} : memref<128x128xf32, #tpu.memory_space<vmem>>, vector<16xf32>,
        %add3A_267 = arith.addf %get3A_260, %get3A_263 : vector<16xf32>
        %sub3A_268 = arith.subf %add3A_267, %get3A_266 : vector<16xf32>
        %abs3A_269 = math.absf %sub3A_268 : vector<16xf32>
        %add3A_270 = arith.addf %add3A_244, %abs3A_269 : vector<16xf32>
        %add3A_271 = arith.addf %add3A_257, %add3A_270 : vector<16xf32>
        %reduce_sum3A = arith.constant true
        %reduce_sum3A_272 = vector.broadcast %reduce_sum3A : i1 to vector<16xi1>
        %reduce_sum3A_273 = tpu.scan <sum>, %add3A_271 masked %reduce_sum3A_272 : vector<16xf32>, vector<16xi1> -> vector<16xf32>
        %reduce_sum3A_274 = vector.extract %reduce_sum3A_273[15] : f32 from vector<16xf32>
        %eq3A = vector.broadcast %scan3A_161 : i32 to vector<16xi32>
        %eq3A_275 = arith.cmpi eq, %iota3A, %eq3A : vector<16xi32>
        %broadcast_in_dim3A_276 = vector.broadcast %reduce_sum3A_274 : f32 to vector<16xf32>
        %select_n3A = arith.select %eq3A_275, %broadcast_in_dim3A_276, %scan3A_162 : vector<16xi1>, vector<16xf32>
        scf.yield %select_n3A : vector<16xf32>
      }
      %scan3A_153 = arith.constant 16 : i32
      %neg3A = arith.constant 0.000000e+00 : f32
      %neg3A_154 = vector.broadcast %neg3A : f32 to vector<16xf32>
      %neg3A_155 = arith.subf %neg3A_154, %scan3A_152 : vector<16xf32>
      %mul3A_156 = arith.constant 16 : i32
      %mul3A_157 = arith.muli %scan3A_146, %mul3A_156 : i32
      %add3A_158 = arith.constant 128 : i32
      %add3A_159 = arith.addi %add3A_158, %mul3A_157 : i32
      %swap3A = arith.index_cast %add3A_159 : i32 to index
      %swap3A_160 = tpu.vector_load %arg13[%swap3A] {strides = array<i32>} : memref<512xf32, #tpu.memory_space<vmem>>, vector<16xf32>,
      tpu.vector_store %arg13[%swap3A], %neg3A_155 {strides = array<i32>} : memref<512xf32, #tpu.memory_space<vmem>>, vector<16xf32>,
    }
    %scan3A_88 = arith.constant 8 : i32
    %dma_wait3A_89 = arith.constant 256 : i32
    %dma_wait3A_90 = tpu.memref_slice %arg6[%dma_wait3A_89] : memref<1536xi32, #tpu.memory_space<vmem>> -> memref<128xi32, #tpu.memory_space<vmem>>
    %dma_wait3A_91 = arith.constant 0 : i32
    %dma_wait3A_92 = arith.constant 0 : i32
    %dma_wait3A_93 = tpu.memref_slice %arg3[%dma_wait3A_91, %dma_wait3A_92] : memref<100000x128xf32, #tpu.memory_space<hbm>> -> memref<100000x128xf32, #tpu.memory_space<hbm>>
    tpu.wait_indirect_dma semaphore(%arg14 : memref<!tpu.dma_semaphore, #tpu.memory_space<semaphore_mem>>) src(%dma_wait3A_93 : memref<100000x128xf32, #tpu.memory_space<hbm>>) dst(%arg7 : memref<128x128xf32, #tpu.memory_space<vmem>>)
    %dma_wait3A_94 = arith.constant 768 : i32
    %dma_wait3A_95 = tpu.memref_slice %arg6[%dma_wait3A_94] : memref<1536xi32, #tpu.memory_space<vmem>> -> memref<128xi32, #tpu.memory_space<vmem>>
    %dma_wait3A_96 = arith.constant 0 : i32
    %dma_wait3A_97 = arith.constant 0 : i32
    %dma_wait3A_98 = tpu.memref_slice %arg4[%dma_wait3A_96, %dma_wait3A_97] : memref<1000x128xf32, #tpu.memory_space<hbm>> -> memref<1000x128xf32, #tpu.memory_space<hbm>>
    tpu.wait_indirect_dma semaphore(%arg14 : memref<!tpu.dma_semaphore, #tpu.memory_space<semaphore_mem>>) src(%dma_wait3A_98 : memref<1000x128xf32, #tpu.memory_space<hbm>>) dst(%arg8 : memref<128x128xf32, #tpu.memory_space<vmem>>)
    %dma_wait3A_99 = arith.constant 1280 : i32
    %dma_wait3A_100 = tpu.memref_slice %arg6[%dma_wait3A_99] : memref<1536xi32, #tpu.memory_space<vmem>> -> memref<128xi32, #tpu.memory_space<vmem>>
    %dma_wait3A_101 = arith.constant 0 : i32
    %dma_wait3A_102 = arith.constant 0 : i32
    %dma_wait3A_103 = tpu.memref_slice %arg3[%dma_wait3A_101, %dma_wait3A_102] : memref<100000x128xf32, #tpu.memory_space<hbm>> -> memref<100000x128xf32, #tpu.memory_space<hbm>>
    tpu.wait_indirect_dma semaphore(%arg14 : memref<!tpu.dma_semaphore, #tpu.memory_space<semaphore_mem>>) src(%dma_wait3A_103 : memref<100000x128xf32, #tpu.memory_space<hbm>>) dst(%arg9 : memref<128x128xf32, #tpu.memory_space<vmem>>)
    %dma_start3A_104 = arith.constant 384 : i32
    %dma_start3A_105 = tpu.memref_slice %arg6[%dma_start3A_104] : memref<1536xi32, #tpu.memory_space<vmem>> -> memref<128xi32, #tpu.memory_space<vmem>>
    %dma_start3A_106 = arith.constant 0 : i32
    %dma_start3A_107 = arith.constant 0 : i32
    %dma_start3A_108 = tpu.memref_slice %arg3[%dma_start3A_106, %dma_start3A_107] : memref<100000x128xf32, #tpu.memory_space<hbm>> -> memref<100000x128xf32, #tpu.memory_space<hbm>>
    tpu.enqueue_indirect_dma source(%dma_start3A_108 : memref<100000x128xf32, #tpu.memory_space<hbm>>) target(%arg10 : memref<128x128xf32, #tpu.memory_space<vmem>>) offsets(%dma_start3A_105 : memref<128xi32, #tpu.memory_space<vmem>>) semaphore(%arg15 : memref<!tpu.dma_semaphore, #tpu.memory_space<semaphore_mem>>)
    %dma_start3A_109 = arith.constant 896 : i32
    %dma_start3A_110 = tpu.memref_slice %arg6[%dma_start3A_109] : memref<1536xi32, #tpu.memory_space<vmem>> -> memref<128xi32, #tpu.memory_space<vmem>>
    %dma_start3A_111 = arith.constant 0 : i32
    %dma_start3A_112 = arith.constant 0 : i32
    %dma_start3A_113 = tpu.memref_slice %arg4[%dma_start3A_111, %dma_start3A_112] : memref<1000x128xf32, #tpu.memory_space<hbm>> -> memref<1000x128xf32, #tpu.memory_space<hbm>>
    tpu.enqueue_indirect_dma source(%dma_start3A_113 : memref<1000x128xf32, #tpu.memory_space<hbm>>) target(%arg11 : memref<128x128xf32, #tpu.memory_space<vmem>>) offsets(%dma_start3A_110 : memref<128xi32, #tpu.memory_space<vmem>>) semaphore(%arg15 : memref<!tpu.dma_semaphore, #tpu.memory_space<semaphore_mem>>)
    %dma_start3A_114 = arith.constant 1408 : i32
    %dma_start3A_115 = tpu.memref_slice %arg6[%dma_start3A_114] : memref<1536xi32, #tpu.memory_space<vmem>> -> memref<128xi32, #tpu.memory_space<vmem>>
    %dma_start3A_116 = arith.constant 0 : i32
    %dma_start3A_117 = arith.constant 0 : i32
    %dma_start3A_118 = tpu.memref_slice %arg3[%dma_start3A_116, %dma_start3A_117] : memref<100000x128xf32, #tpu.memory_space<hbm>> -> memref<100000x128xf32, #tpu.memory_space<hbm>>
    tpu.enqueue_indirect_dma source(%dma_start3A_118 : memref<100000x128xf32, #tpu.memory_space<hbm>>) target(%arg12 : memref<128x128xf32, #tpu.memory_space<vmem>>) offsets(%dma_start3A_115 : memref<128xi32, #tpu.memory_space<vmem>>) semaphore(%arg15 : memref<!tpu.dma_semaphore, #tpu.memory_space<semaphore_mem>>)
    %scan3A_119 = arith.constant 0 : i32
    %scan3A_120 = arith.constant 0 : i32
    %scan3A_121 = arith.constant 8 : i32
    %scan3A_122 = arith.addi %scan3A_120, %scan3A_121 : i32
    %scan3A_123 = arith.constant 1 : i32
    scf.for %scan3A_146 = %scan3A_120 to %scan3A_122 step %scan3A_123  : i32 {
      %broadcast_in_dim3A = arith.constant 0.000000e+00 : f32
      %broadcast_in_dim3A_147 = vector.broadcast %broadcast_in_dim3A : f32 to vector<16xf32>
      %scan3A_148 = arith.constant 0 : i32
      %scan3A_149 = arith.constant 16 : i32
      %scan3A_150 = arith.addi %scan3A_148, %scan3A_149 : i32
      %scan3A_151 = arith.constant 1 : i32
      %scan3A_152 = scf.for %scan3A_161 = %scan3A_148 to %scan3A_150 step %scan3A_151 iter_args(%scan3A_162 = %broadcast_in_dim3A_147) -> (vector<16xf32>)  : i32 {
        %mul3A_163 = arith.constant 16 : i32
        %mul3A_164 = arith.muli %scan3A_146, %mul3A_163 : i32
        %add3A_165 = arith.addi %mul3A_164, %scan3A_161 : i32
        %broadcast_in_dim3A_166 = arith.constant 0.000000e+00 : f32
        %broadcast_in_dim3A_167 = vector.broadcast %broadcast_in_dim3A_166 : f32 to vector<16xf32>
        %broadcast_in_dim3A_168 = arith.constant 0.000000e+00 : f32
        %broadcast_in_dim3A_169 = vector.broadcast %broadcast_in_dim3A_168 : f32 to vector<16xf32>
        %get3A = arith.index_cast %add3A_165 : i32 to index
        %get3A_170 = arith.constant 0 : index
        %get3A_171 = tpu.vector_load %arg7[%get3A, %get3A_170] {strides = array<i32>} : memref<128x128xf32, #tpu.memory_space<vmem>>, vector<16xf32>,
        %get3A_172 = arith.index_cast %add3A_165 : i32 to index
        %get3A_173 = arith.constant 0 : index
        %get3A_174 = tpu.vector_load %arg8[%get3A_172, %get3A_173] {strides = array<i32>} : memref<128x128xf32, #tpu.memory_space<vmem>>, vector<16xf32>,
        %get3A_175 = arith.index_cast %add3A_165 : i32 to index
        %get3A_176 = arith.constant 0 : index
        %get3A_177 = tpu.vector_load %arg9[%get3A_175, %get3A_176] {strides = array<i32>} : memref<128x128xf32, #tpu.memory_space<vmem>>, vector<16xf32>,
        %add3A_178 = arith.addf %get3A_171, %get3A_174 : vector<16xf32>
        %sub3A = arith.subf %add3A_178, %get3A_177 : vector<16xf32>
        %abs3A = math.absf %sub3A : vector<16xf32>
        %add3A_179 = arith.addf %broadcast_in_dim3A_167, %abs3A : vector<16xf32>
        %get3A_180 = arith.index_cast %add3A_165 : i32 to index
        %get3A_181 = arith.constant 16 : index
        %get3A_182 = tpu.vector_load %arg7[%get3A_180, %get3A_181] {strides = array<i32>} : memref<128x128xf32, #tpu.memory_space<vmem>>, vector<16xf32>,
        %get3A_183 = arith.index_cast %add3A_165 : i32 to index
        %get3A_184 = arith.constant 16 : index
        %get3A_185 = tpu.vector_load %arg8[%get3A_183, %get3A_184] {strides = array<i32>} : memref<128x128xf32, #tpu.memory_space<vmem>>, vector<16xf32>,
        %get3A_186 = arith.index_cast %add3A_165 : i32 to index
        %get3A_187 = arith.constant 16 : index
        %get3A_188 = tpu.vector_load %arg9[%get3A_186, %get3A_187] {strides = array<i32>} : memref<128x128xf32, #tpu.memory_space<vmem>>, vector<16xf32>,
        %add3A_189 = arith.addf %get3A_182, %get3A_185 : vector<16xf32>
        %sub3A_190 = arith.subf %add3A_189, %get3A_188 : vector<16xf32>
        %abs3A_191 = math.absf %sub3A_190 : vector<16xf32>
        %add3A_192 = arith.addf %broadcast_in_dim3A_169, %abs3A_191 : vector<16xf32>
        %get3A_193 = arith.index_cast %add3A_165 : i32 to index
        %get3A_194 = arith.constant 32 : index
        %get3A_195 = tpu.vector_load %arg7[%get3A_193, %get3A_194] {strides = array<i32>} : memref<128x128xf32, #tpu.memory_space<vmem>>, vector<16xf32>,
        %get3A_196 = arith.index_cast %add3A_165 : i32 to index
        %get3A_197 = arith.constant 32 : index
        %get3A_198 = tpu.vector_load %arg8[%get3A_196, %get3A_197] {strides = array<i32>} : memref<128x128xf32, #tpu.memory_space<vmem>>, vector<16xf32>,
        %get3A_199 = arith.index_cast %add3A_165 : i32 to index
        %get3A_200 = arith.constant 32 : index
        %get3A_201 = tpu.vector_load %arg9[%get3A_199, %get3A_200] {strides = array<i32>} : memref<128x128xf32, #tpu.memory_space<vmem>>, vector<16xf32>,
        %add3A_202 = arith.addf %get3A_195, %get3A_198 : vector<16xf32>
        %sub3A_203 = arith.subf %add3A_202, %get3A_201 : vector<16xf32>
        %abs3A_204 = math.absf %sub3A_203 : vector<16xf32>
        %add3A_205 = arith.addf %add3A_179, %abs3A_204 : vector<16xf32>
        %get3A_206 = arith.index_cast %add3A_165 : i32 to index
        %get3A_207 = arith.constant 48 : index
        %get3A_208 = tpu.vector_load %arg7[%get3A_206, %get3A_207] {strides = array<i32>} : memref<128x128xf32, #tpu.memory_space<vmem>>, vector<16xf32>,
        %get3A_209 = arith.index_cast %add3A_165 : i32 to index
        %get3A_210 = arith.constant 48 : index
        %get3A_211 = tpu.vector_load %arg8[%get3A_209, %get3A_210] {strides = array<i32>} : memref<128x128xf32, #tpu.memory_space<vmem>>, vector<16xf32>,
        %get3A_212 = arith.index_cast %add3A_165 : i32 to index
        %get3A_213 = arith.constant 48 : index
        %get3A_214 = tpu.vector_load %arg9[%get3A_212, %get3A_213] {strides = array<i32>} : memref<128x128xf32, #tpu.memory_space<vmem>>, vector<16xf32>,
        %add3A_215 = arith.addf %get3A_208, %get3A_211 : vector<16xf32>
        %sub3A_216 = arith.subf %add3A_215, %get3A_214 : vector<16xf32>
        %abs3A_217 = math.absf %sub3A_216 : vector<16xf32>
        %add3A_218 = arith.addf %add3A_192, %abs3A_217 : vector<16xf32>
        %get3A_219 = arith.index_cast %add3A_165 : i32 to index
        %get3A_220 = arith.constant 64 : index
        %get3A_221 = tpu.vector_load %arg7[%get3A_219, %get3A_220] {strides = array<i32>} : memref<128x128xf32, #tpu.memory_space<vmem>>, vector<16xf32>,
        %get3A_222 = arith.index_cast %add3A_165 : i32 to index
        %get3A_223 = arith.constant 64 : index
        %get3A_224 = tpu.vector_load %arg8[%get3A_222, %get3A_223] {strides = array<i32>} : memref<128x128xf32, #tpu.memory_space<vmem>>, vector<16xf32>,
        %get3A_225 = arith.index_cast %add3A_165 : i32 to index
        %get3A_226 = arith.constant 64 : index
        %get3A_227 = tpu.vector_load %arg9[%get3A_225, %get3A_226] {strides = array<i32>} : memref<128x128xf32, #tpu.memory_space<vmem>>, vector<16xf32>,
        %add3A_228 = arith.addf %get3A_221, %get3A_224 : vector<16xf32>
        %sub3A_229 = arith.subf %add3A_228, %get3A_227 : vector<16xf32>
        %abs3A_230 = math.absf %sub3A_229 : vector<16xf32>
        %add3A_231 = arith.addf %add3A_205, %abs3A_230 : vector<16xf32>
        %get3A_232 = arith.index_cast %add3A_165 : i32 to index
        %get3A_233 = arith.constant 80 : index
        %get3A_234 = tpu.vector_load %arg7[%get3A_232, %get3A_233] {strides = array<i32>} : memref<128x128xf32, #tpu.memory_space<vmem>>, vector<16xf32>,
        %get3A_235 = arith.index_cast %add3A_165 : i32 to index
        %get3A_236 = arith.constant 80 : index
        %get3A_237 = tpu.vector_load %arg8[%get3A_235, %get3A_236] {strides = array<i32>} : memref<128x128xf32, #tpu.memory_space<vmem>>, vector<16xf32>,
        %get3A_238 = arith.index_cast %add3A_165 : i32 to index
        %get3A_239 = arith.constant 80 : index
        %get3A_240 = tpu.vector_load %arg9[%get3A_238, %get3A_239] {strides = array<i32>} : memref<128x128xf32, #tpu.memory_space<vmem>>, vector<16xf32>,
        %add3A_241 = arith.addf %get3A_234, %get3A_237 : vector<16xf32>
        %sub3A_242 = arith.subf %add3A_241, %get3A_240 : vector<16xf32>
        %abs3A_243 = math.absf %sub3A_242 : vector<16xf32>
        %add3A_244 = arith.addf %add3A_218, %abs3A_243 : vector<16xf32>
        %get3A_245 = arith.index_cast %add3A_165 : i32 to index
        %get3A_246 = arith.constant 96 : index
        %get3A_247 = tpu.vector_load %arg7[%get3A_245, %get3A_246] {strides = array<i32>} : memref<128x128xf32, #tpu.memory_space<vmem>>, vector<16xf32>,
        %get3A_248 = arith.index_cast %add3A_165 : i32 to index
        %get3A_249 = arith.constant 96 : index
        %get3A_250 = tpu.vector_load %arg8[%get3A_248, %get3A_249] {strides = array<i32>} : memref<128x128xf32, #tpu.memory_space<vmem>>, vector<16xf32>,
        %get3A_251 = arith.index_cast %add3A_165 : i32 to index
        %get3A_252 = arith.constant 96 : index
        %get3A_253 = tpu.vector_load %arg9[%get3A_251, %get3A_252] {strides = array<i32>} : memref<128x128xf32, #tpu.memory_space<vmem>>, vector<16xf32>,
        %add3A_254 = arith.addf %get3A_247, %get3A_250 : vector<16xf32>
        %sub3A_255 = arith.subf %add3A_254, %get3A_253 : vector<16xf32>
        %abs3A_256 = math.absf %sub3A_255 : vector<16xf32>
        %add3A_257 = arith.addf %add3A_231, %abs3A_256 : vector<16xf32>
        %get3A_258 = arith.index_cast %add3A_165 : i32 to index
        %get3A_259 = arith.constant 112 : index
        %get3A_260 = tpu.vector_load %arg7[%get3A_258, %get3A_259] {strides = array<i32>} : memref<128x128xf32, #tpu.memory_space<vmem>>, vector<16xf32>,
        %get3A_261 = arith.index_cast %add3A_165 : i32 to index
        %get3A_262 = arith.constant 112 : index
        %get3A_263 = tpu.vector_load %arg8[%get3A_261, %get3A_262] {strides = array<i32>} : memref<128x128xf32, #tpu.memory_space<vmem>>, vector<16xf32>,
        %get3A_264 = arith.index_cast %add3A_165 : i32 to index
        %get3A_265 = arith.constant 112 : index
        %get3A_266 = tpu.vector_load %arg9[%get3A_264, %get3A_265] {strides = array<i32>} : memref<128x128xf32, #tpu.memory_space<vmem>>, vector<16xf32>,
        %add3A_267 = arith.addf %get3A_260, %get3A_263 : vector<16xf32>
        %sub3A_268 = arith.subf %add3A_267, %get3A_266 : vector<16xf32>
        %abs3A_269 = math.absf %sub3A_268 : vector<16xf32>
        %add3A_270 = arith.addf %add3A_244, %abs3A_269 : vector<16xf32>
        %add3A_271 = arith.addf %add3A_257, %add3A_270 : vector<16xf32>
        %reduce_sum3A = arith.constant true
        %reduce_sum3A_272 = vector.broadcast %reduce_sum3A : i1 to vector<16xi1>
        %reduce_sum3A_273 = tpu.scan <sum>, %add3A_271 masked %reduce_sum3A_272 : vector<16xf32>, vector<16xi1> -> vector<16xf32>
        %reduce_sum3A_274 = vector.extract %reduce_sum3A_273[15] : f32 from vector<16xf32>
        %eq3A = vector.broadcast %scan3A_161 : i32 to vector<16xi32>
        %eq3A_275 = arith.cmpi eq, %iota3A, %eq3A : vector<16xi32>
        %broadcast_in_dim3A_276 = vector.broadcast %reduce_sum3A_274 : f32 to vector<16xf32>
        %select_n3A = arith.select %eq3A_275, %broadcast_in_dim3A_276, %scan3A_162 : vector<16xi1>, vector<16xf32>
        scf.yield %select_n3A : vector<16xf32>
      }
      %scan3A_153 = arith.constant 16 : i32
      %neg3A = arith.constant 0.000000e+00 : f32
      %neg3A_154 = vector.broadcast %neg3A : f32 to vector<16xf32>
      %neg3A_155 = arith.subf %neg3A_154, %scan3A_152 : vector<16xf32>
      %mul3A_156 = arith.constant 16 : i32
      %mul3A_157 = arith.muli %scan3A_146, %mul3A_156 : i32
      %add3A_158 = arith.constant 256 : i32
      %add3A_159 = arith.addi %add3A_158, %mul3A_157 : i32
      %swap3A = arith.index_cast %add3A_159 : i32 to index
      %swap3A_160 = tpu.vector_load %arg13[%swap3A] {strides = array<i32>} : memref<512xf32, #tpu.memory_space<vmem>>, vector<16xf32>,
      tpu.vector_store %arg13[%swap3A], %neg3A_155 {strides = array<i32>} : memref<512xf32, #tpu.memory_space<vmem>>, vector<16xf32>,
    }
    %scan3A_124 = arith.constant 8 : i32
    %dma_wait3A_125 = arith.constant 384 : i32
    %dma_wait3A_126 = tpu.memref_slice %arg6[%dma_wait3A_125] : memref<1536xi32, #tpu.memory_space<vmem>> -> memref<128xi32, #tpu.memory_space<vmem>>
    %dma_wait3A_127 = arith.constant 0 : i32
    %dma_wait3A_128 = arith.constant 0 : i32
    %dma_wait3A_129 = tpu.memref_slice %arg3[%dma_wait3A_127, %dma_wait3A_128] : memref<100000x128xf32, #tpu.memory_space<hbm>> -> memref<100000x128xf32, #tpu.memory_space<hbm>>
    tpu.wait_indirect_dma semaphore(%arg15 : memref<!tpu.dma_semaphore, #tpu.memory_space<semaphore_mem>>) src(%dma_wait3A_129 : memref<100000x128xf32, #tpu.memory_space<hbm>>) dst(%arg10 : memref<128x128xf32, #tpu.memory_space<vmem>>)
    %dma_wait3A_130 = arith.constant 896 : i32
    %dma_wait3A_131 = tpu.memref_slice %arg6[%dma_wait3A_130] : memref<1536xi32, #tpu.memory_space<vmem>> -> memref<128xi32, #tpu.memory_space<vmem>>
    %dma_wait3A_132 = arith.constant 0 : i32
    %dma_wait3A_133 = arith.constant 0 : i32
    %dma_wait3A_134 = tpu.memref_slice %arg4[%dma_wait3A_132, %dma_wait3A_133] : memref<1000x128xf32, #tpu.memory_space<hbm>> -> memref<1000x128xf32, #tpu.memory_space<hbm>>
    tpu.wait_indirect_dma semaphore(%arg15 : memref<!tpu.dma_semaphore, #tpu.memory_space<semaphore_mem>>) src(%dma_wait3A_134 : memref<1000x128xf32, #tpu.memory_space<hbm>>) dst(%arg11 : memref<128x128xf32, #tpu.memory_space<vmem>>)
    %dma_wait3A_135 = arith.constant 1408 : i32
    %dma_wait3A_136 = tpu.memref_slice %arg6[%dma_wait3A_135] : memref<1536xi32, #tpu.memory_space<vmem>> -> memref<128xi32, #tpu.memory_space<vmem>>
    %dma_wait3A_137 = arith.constant 0 : i32
    %dma_wait3A_138 = arith.constant 0 : i32
    %dma_wait3A_139 = tpu.memref_slice %arg3[%dma_wait3A_137, %dma_wait3A_138] : memref<100000x128xf32, #tpu.memory_space<hbm>> -> memref<100000x128xf32, #tpu.memory_space<hbm>>
    tpu.wait_indirect_dma semaphore(%arg15 : memref<!tpu.dma_semaphore, #tpu.memory_space<semaphore_mem>>) src(%dma_wait3A_139 : memref<100000x128xf32, #tpu.memory_space<hbm>>) dst(%arg12 : memref<128x128xf32, #tpu.memory_space<vmem>>)
    %scan3A_140 = arith.constant 0 : i32
    %scan3A_141 = arith.constant 0 : i32
    %scan3A_142 = arith.constant 8 : i32
    %scan3A_143 = arith.addi %scan3A_141, %scan3A_142 : i32
    %scan3A_144 = arith.constant 1 : i32
    scf.for %scan3A_146 = %scan3A_141 to %scan3A_143 step %scan3A_144  : i32 {
      %broadcast_in_dim3A = arith.constant 0.000000e+00 : f32
      %broadcast_in_dim3A_147 = vector.broadcast %broadcast_in_dim3A : f32 to vector<16xf32>
      %scan3A_148 = arith.constant 0 : i32
      %scan3A_149 = arith.constant 16 : i32
      %scan3A_150 = arith.addi %scan3A_148, %scan3A_149 : i32
      %scan3A_151 = arith.constant 1 : i32
      %scan3A_152 = scf.for %scan3A_161 = %scan3A_148 to %scan3A_150 step %scan3A_151 iter_args(%scan3A_162 = %broadcast_in_dim3A_147) -> (vector<16xf32>)  : i32 {
        %mul3A_163 = arith.constant 16 : i32
        %mul3A_164 = arith.muli %scan3A_146, %mul3A_163 : i32
        %add3A_165 = arith.addi %mul3A_164, %scan3A_161 : i32
        %broadcast_in_dim3A_166 = arith.constant 0.000000e+00 : f32
        %broadcast_in_dim3A_167 = vector.broadcast %broadcast_in_dim3A_166 : f32 to vector<16xf32>
        %broadcast_in_dim3A_168 = arith.constant 0.000000e+00 : f32
        %broadcast_in_dim3A_169 = vector.broadcast %broadcast_in_dim3A_168 : f32 to vector<16xf32>
        %get3A = arith.index_cast %add3A_165 : i32 to index
        %get3A_170 = arith.constant 0 : index
        %get3A_171 = tpu.vector_load %arg10[%get3A, %get3A_170] {strides = array<i32>} : memref<128x128xf32, #tpu.memory_space<vmem>>, vector<16xf32>,
        %get3A_172 = arith.index_cast %add3A_165 : i32 to index
        %get3A_173 = arith.constant 0 : index
        %get3A_174 = tpu.vector_load %arg11[%get3A_172, %get3A_173] {strides = array<i32>} : memref<128x128xf32, #tpu.memory_space<vmem>>, vector<16xf32>,
        %get3A_175 = arith.index_cast %add3A_165 : i32 to index
        %get3A_176 = arith.constant 0 : index
        %get3A_177 = tpu.vector_load %arg12[%get3A_175, %get3A_176] {strides = array<i32>} : memref<128x128xf32, #tpu.memory_space<vmem>>, vector<16xf32>,
        %add3A_178 = arith.addf %get3A_171, %get3A_174 : vector<16xf32>
        %sub3A = arith.subf %add3A_178, %get3A_177 : vector<16xf32>
        %abs3A = math.absf %sub3A : vector<16xf32>
        %add3A_179 = arith.addf %broadcast_in_dim3A_167, %abs3A : vector<16xf32>
        %get3A_180 = arith.index_cast %add3A_165 : i32 to index
        %get3A_181 = arith.constant 16 : index
        %get3A_182 = tpu.vector_load %arg10[%get3A_180, %get3A_181] {strides = array<i32>} : memref<128x128xf32, #tpu.memory_space<vmem>>, vector<16xf32>,
        %get3A_183 = arith.index_cast %add3A_165 : i32 to index
        %get3A_184 = arith.constant 16 : index
        %get3A_185 = tpu.vector_load %arg11[%get3A_183, %get3A_184] {strides = array<i32>} : memref<128x128xf32, #tpu.memory_space<vmem>>, vector<16xf32>,
        %get3A_186 = arith.index_cast %add3A_165 : i32 to index
        %get3A_187 = arith.constant 16 : index
        %get3A_188 = tpu.vector_load %arg12[%get3A_186, %get3A_187] {strides = array<i32>} : memref<128x128xf32, #tpu.memory_space<vmem>>, vector<16xf32>,
        %add3A_189 = arith.addf %get3A_182, %get3A_185 : vector<16xf32>
        %sub3A_190 = arith.subf %add3A_189, %get3A_188 : vector<16xf32>
        %abs3A_191 = math.absf %sub3A_190 : vector<16xf32>
        %add3A_192 = arith.addf %broadcast_in_dim3A_169, %abs3A_191 : vector<16xf32>
        %get3A_193 = arith.index_cast %add3A_165 : i32 to index
        %get3A_194 = arith.constant 32 : index
        %get3A_195 = tpu.vector_load %arg10[%get3A_193, %get3A_194] {strides = array<i32>} : memref<128x128xf32, #tpu.memory_space<vmem>>, vector<16xf32>,
        %get3A_196 = arith.index_cast %add3A_165 : i32 to index
        %get3A_197 = arith.constant 32 : index
        %get3A_198 = tpu.vector_load %arg11[%get3A_196, %get3A_197] {strides = array<i32>} : memref<128x128xf32, #tpu.memory_space<vmem>>, vector<16xf32>,
        %get3A_199 = arith.index_cast %add3A_165 : i32 to index
        %get3A_200 = arith.constant 32 : index
        %get3A_201 = tpu.vector_load %arg12[%get3A_199, %get3A_200] {strides = array<i32>} : memref<128x128xf32, #tpu.memory_space<vmem>>, vector<16xf32>,
        %add3A_202 = arith.addf %get3A_195, %get3A_198 : vector<16xf32>
        %sub3A_203 = arith.subf %add3A_202, %get3A_201 : vector<16xf32>
        %abs3A_204 = math.absf %sub3A_203 : vector<16xf32>
        %add3A_205 = arith.addf %add3A_179, %abs3A_204 : vector<16xf32>
        %get3A_206 = arith.index_cast %add3A_165 : i32 to index
        %get3A_207 = arith.constant 48 : index
        %get3A_208 = tpu.vector_load %arg10[%get3A_206, %get3A_207] {strides = array<i32>} : memref<128x128xf32, #tpu.memory_space<vmem>>, vector<16xf32>,
        %get3A_209 = arith.index_cast %add3A_165 : i32 to index
        %get3A_210 = arith.constant 48 : index
        %get3A_211 = tpu.vector_load %arg11[%get3A_209, %get3A_210] {strides = array<i32>} : memref<128x128xf32, #tpu.memory_space<vmem>>, vector<16xf32>,
        %get3A_212 = arith.index_cast %add3A_165 : i32 to index
        %get3A_213 = arith.constant 48 : index
        %get3A_214 = tpu.vector_load %arg12[%get3A_212, %get3A_213] {strides = array<i32>} : memref<128x128xf32, #tpu.memory_space<vmem>>, vector<16xf32>,
        %add3A_215 = arith.addf %get3A_208, %get3A_211 : vector<16xf32>
        %sub3A_216 = arith.subf %add3A_215, %get3A_214 : vector<16xf32>
        %abs3A_217 = math.absf %sub3A_216 : vector<16xf32>
        %add3A_218 = arith.addf %add3A_192, %abs3A_217 : vector<16xf32>
        %get3A_219 = arith.index_cast %add3A_165 : i32 to index
        %get3A_220 = arith.constant 64 : index
        %get3A_221 = tpu.vector_load %arg10[%get3A_219, %get3A_220] {strides = array<i32>} : memref<128x128xf32, #tpu.memory_space<vmem>>, vector<16xf32>,
        %get3A_222 = arith.index_cast %add3A_165 : i32 to index
        %get3A_223 = arith.constant 64 : index
        %get3A_224 = tpu.vector_load %arg11[%get3A_222, %get3A_223] {strides = array<i32>} : memref<128x128xf32, #tpu.memory_space<vmem>>, vector<16xf32>,
        %get3A_225 = arith.index_cast %add3A_165 : i32 to index
        %get3A_226 = arith.constant 64 : index
        %get3A_227 = tpu.vector_load %arg12[%get3A_225, %get3A_226] {strides = array<i32>} : memref<128x128xf32, #tpu.memory_space<vmem>>, vector<16xf32>,
        %add3A_228 = arith.addf %get3A_221, %get3A_224 : vector<16xf32>
        %sub3A_229 = arith.subf %add3A_228, %get3A_227 : vector<16xf32>
        %abs3A_230 = math.absf %sub3A_229 : vector<16xf32>
        %add3A_231 = arith.addf %add3A_205, %abs3A_230 : vector<16xf32>
        %get3A_232 = arith.index_cast %add3A_165 : i32 to index
        %get3A_233 = arith.constant 80 : index
        %get3A_234 = tpu.vector_load %arg10[%get3A_232, %get3A_233] {strides = array<i32>} : memref<128x128xf32, #tpu.memory_space<vmem>>, vector<16xf32>,
        %get3A_235 = arith.index_cast %add3A_165 : i32 to index
        %get3A_236 = arith.constant 80 : index
        %get3A_237 = tpu.vector_load %arg11[%get3A_235, %get3A_236] {strides = array<i32>} : memref<128x128xf32, #tpu.memory_space<vmem>>, vector<16xf32>,
        %get3A_238 = arith.index_cast %add3A_165 : i32 to index
        %get3A_239 = arith.constant 80 : index
        %get3A_240 = tpu.vector_load %arg12[%get3A_238, %get3A_239] {strides = array<i32>} : memref<128x128xf32, #tpu.memory_space<vmem>>, vector<16xf32>,
        %add3A_241 = arith.addf %get3A_234, %get3A_237 : vector<16xf32>
        %sub3A_242 = arith.subf %add3A_241, %get3A_240 : vector<16xf32>
        %abs3A_243 = math.absf %sub3A_242 : vector<16xf32>
        %add3A_244 = arith.addf %add3A_218, %abs3A_243 : vector<16xf32>
        %get3A_245 = arith.index_cast %add3A_165 : i32 to index
        %get3A_246 = arith.constant 96 : index
        %get3A_247 = tpu.vector_load %arg10[%get3A_245, %get3A_246] {strides = array<i32>} : memref<128x128xf32, #tpu.memory_space<vmem>>, vector<16xf32>,
        %get3A_248 = arith.index_cast %add3A_165 : i32 to index
        %get3A_249 = arith.constant 96 : index
        %get3A_250 = tpu.vector_load %arg11[%get3A_248, %get3A_249] {strides = array<i32>} : memref<128x128xf32, #tpu.memory_space<vmem>>, vector<16xf32>,
        %get3A_251 = arith.index_cast %add3A_165 : i32 to index
        %get3A_252 = arith.constant 96 : index
        %get3A_253 = tpu.vector_load %arg12[%get3A_251, %get3A_252] {strides = array<i32>} : memref<128x128xf32, #tpu.memory_space<vmem>>, vector<16xf32>,
        %add3A_254 = arith.addf %get3A_247, %get3A_250 : vector<16xf32>
        %sub3A_255 = arith.subf %add3A_254, %get3A_253 : vector<16xf32>
        %abs3A_256 = math.absf %sub3A_255 : vector<16xf32>
        %add3A_257 = arith.addf %add3A_231, %abs3A_256 : vector<16xf32>
        %get3A_258 = arith.index_cast %add3A_165 : i32 to index
        %get3A_259 = arith.constant 112 : index
        %get3A_260 = tpu.vector_load %arg10[%get3A_258, %get3A_259] {strides = array<i32>} : memref<128x128xf32, #tpu.memory_space<vmem>>, vector<16xf32>,
        %get3A_261 = arith.index_cast %add3A_165 : i32 to index
        %get3A_262 = arith.constant 112 : index
        %get3A_263 = tpu.vector_load %arg11[%get3A_261, %get3A_262] {strides = array<i32>} : memref<128x128xf32, #tpu.memory_space<vmem>>, vector<16xf32>,
        %get3A_264 = arith.index_cast %add3A_165 : i32 to index
        %get3A_265 = arith.constant 112 : index
        %get3A_266 = tpu.vector_load %arg12[%get3A_264, %get3A_265] {strides = array<i32>} : memref<128x128xf32, #tpu.memory_space<vmem>>, vector<16xf32>,
        %add3A_267 = arith.addf %get3A_260, %get3A_263 : vector<16xf32>
        %sub3A_268 = arith.subf %add3A_267, %get3A_266 : vector<16xf32>
        %abs3A_269 = math.absf %sub3A_268 : vector<16xf32>
        %add3A_270 = arith.addf %add3A_244, %abs3A_269 : vector<16xf32>
        %add3A_271 = arith.addf %add3A_257, %add3A_270 : vector<16xf32>
        %reduce_sum3A = arith.constant true
        %reduce_sum3A_272 = vector.broadcast %reduce_sum3A : i1 to vector<16xi1>
        %reduce_sum3A_273 = tpu.scan <sum>, %add3A_271 masked %reduce_sum3A_272 : vector<16xf32>, vector<16xi1> -> vector<16xf32>
        %reduce_sum3A_274 = vector.extract %reduce_sum3A_273[15] : f32 from vector<16xf32>
        %eq3A = vector.broadcast %scan3A_161 : i32 to vector<16xi32>
        %eq3A_275 = arith.cmpi eq, %iota3A, %eq3A : vector<16xi32>
        %broadcast_in_dim3A_276 = vector.broadcast %reduce_sum3A_274 : f32 to vector<16xf32>
        %select_n3A = arith.select %eq3A_275, %broadcast_in_dim3A_276, %scan3A_162 : vector<16xi1>, vector<16xf32>
        scf.yield %select_n3A : vector<16xf32>
      }
      %scan3A_153 = arith.constant 16 : i32
      %neg3A = arith.constant 0.000000e+00 : f32
      %neg3A_154 = vector.broadcast %neg3A : f32 to vector<16xf32>
      %neg3A_155 = arith.subf %neg3A_154, %scan3A_152 : vector<16xf32>
      %mul3A_156 = arith.constant 16 : i32
      %mul3A_157 = arith.muli %scan3A_146, %mul3A_156 : i32
      %add3A_158 = arith.constant 384 : i32
      %add3A_159 = arith.addi %add3A_158, %mul3A_157 : i32
      %swap3A = arith.index_cast %add3A_159 : i32 to index
      %swap3A_160 = tpu.vector_load %arg13[%swap3A] {strides = array<i32>} : memref<512xf32, #tpu.memory_space<vmem>>, vector<16xf32>,
      tpu.vector_store %arg13[%swap3A], %neg3A_155 {strides = array<i32>} : memref<512xf32, #tpu.memory_space<vmem>>, vector<16xf32>,
    }
    %scan3A_145 = arith.constant 8 : i32
    "tpu.region"() ({
      %run_scoped3A = tpu.sem_alloc : memref<!tpu.dma_semaphore, #tpu.memory_space<semaphore_mem>>
      %dma_start3A_146 = tpu.memref_slice %arg5[%mul3A_2] : memref<16384xf32, #tpu.memory_space<hbm>> -> memref<512xf32, #tpu.memory_space<hbm>>
      %dma_start3A_147 = tpu.memref_slice %arg5[%mul3A_2] : memref<16384xf32, #tpu.memory_space<hbm>> -> memref<512xf32, #tpu.memory_space<hbm>>
      tpu.enqueue_dma source(%arg13 : memref<512xf32, #tpu.memory_space<vmem>>) target(%dma_start3A_147 : memref<512xf32, #tpu.memory_space<hbm>>) target_semaphore(%run_scoped3A : memref<!tpu.dma_semaphore, #tpu.memory_space<semaphore_mem>>)
      %dma_wait3A_148 = tpu.memref_slice %arg5[%mul3A_2] : memref<16384xf32, #tpu.memory_space<hbm>> -> memref<512xf32, #tpu.memory_space<hbm>>
      %dma_wait3A_149 = tpu.memref_slice %arg5[%mul3A_2] : memref<16384xf32, #tpu.memory_space<hbm>> -> memref<512xf32, #tpu.memory_space<hbm>>
      tpu.wait_dma2 semaphore(%run_scoped3A : memref<!tpu.dma_semaphore, #tpu.memory_space<semaphore_mem>>) src(%arg13 : memref<512xf32, #tpu.memory_space<vmem>>) dst(%dma_wait3A_149 : memref<512xf32, #tpu.memory_space<hbm>>)
      tpu.yield
    }) : () -> ()
    return
  }
}

</mosaic_0001>

<sc_bundles>
// kernel: kernel.3.cloned.1.call-start
scs
__scs_entry_jumppad:
0x0: {  	(pc) =	sbr.rel $0x88, $3  }
0x1: {  	(tag) =	ssettag $0x0;
	lr =	simm.s32 $0x1  }
0x2: {  	[smem:$0x3F9E] =	sst lr;
	_ =	strace $0xD0000000  }
0x3: {  	_ = 	snop  }
0x4: {  	_ = 	snop  }
0x5: {  	_ = 	snop  }
0x6: {  	_ = 	snop  }
0x7: {  	_ = 	snop  }
__scs_overlays_trampoline_lowered:
0x8: {  	[smem:$0x3FAD] =	sst s0  }
0x9: {  	[smem:$0x3FAE] =	sst s1  }
0xa: {  	[smem:$0x3FAF] =	sst s2  }
0xb: {  	[smem:$0x3FB0] =	sst s3  }
0xc: {  	[smem:$0x3FB1] =	sst s4  }
0xd: {  	[smem:$0x3FB2] =	sst s5  }
0xe: {  	[smem:$0x3FB3] =	sst s6  }
0xf: {  	[smem:$0x3FB4] =	sst s7  }
0x10: {  	[smem:$0x3FB5] =	sst s8  }
0x11: {  	[smem:$0x3FB6] =	sst s9;
	s0 =	simm.s32 @!p0 $0x0  }
0x12: {  	s1 =	sld [smem:$0x3F9C];
	s0 =	simm.s32 @p0 $0x1  }
0x13: {  	[smem:$0x3FB7] =	sst s0;
	s0 =	simm.s32 @!p1 $0x0  }
0x14: {  	s2 =	sld [smem:$0x3F9B];
	s0 =	simm.s32 @p1 $0x1  }
0x15: {  	[smem:$0x3FB8] =	sst s0;
	s0 =	simm.s32 @!p2 $0x0  }
0x16: {  	s3 =	sld [smem:$0x3FDB];
	s0 =	simm.s32 @p2 $0x1  }
0x17: {  	s4 =	simm.s32 $0x1BF5;
	[smem:$0x3FBA] =	sst s0  }
0x18: {  	s0 =	sld [smem:$0x3F9D];
	_ =	swait.ge [sflag:s4], $0x0  }
0x19: {  	s7 =	sld [smem:$0x3F9E]  }
0x1a: {  	s8 =	sadd.s32 $0xFFFFE003, lr  }
0x1b: {  	s9 =	sadd.s32 $0xFFFFFEF7, lr;
	s5 =	simm.s32 $0xFFFFFFFF;
	p2 =	slt.u32 s8, $0xFFFFF086  }
0x1c: {  	p1 =	slt.u32 s9, $0xF7A;
	s5 =	simm.s32 @!p2 $0x0  }
0x1d: {  	s5 =	simm.s32 @p1 $0x1;
	p0 =	seq.s32 s7, s2  }
0x1e: {  	s7 =	smul.u32 @!p0 $0xF7A, s2;
	p2 =	seq.s32 @!p0 s5, $0x0  }
0x1f: {  	s9 =	smul.u32 $0xF7A, s1;
	s8 =	simm.s32 @!p0 $0x1BF5;
	p2 =	por !p2, p0  }
0x20: {  	[sflag:s8] =	ssyncset.s32 @!p0 $0xFFFFF086;
	s6 =	sadd.s32 @!p0 s3, s7;
	s7 =	simm.s32 @!p0 $0x108  }
0x21: {  	s3 =	sadd.s32 s3, s9;
	s6 =	sadd.s32 @!p0 $0x88, s6;
	s7 =	simm.s32 @p2 $0x1082  }
0x22: {  	[simem:s7], [sflag:s8] =	dma.local @!p0 [hbm:s6], $0xF7A  }
0x23: {  	s9 =	sor.u32 $0xD0000000, s2;
	s6 =	simm.s32 $0x108;
	_ =	swait.ge @!p0 [sflag:s8], $0x0  }
0x24: {  	s3 =	sadd.s32 $0x88, s3;
	s6 =	simm.s32 @!p1 $0x1082;
	[sflag:s4] =	ssyncset.s32 $0xFFFFF086  }
0x25: {  	[simem:s6], [sflag:s4] =	dma.local [hbm:s3], $0xF7A  }
0x26: {  	[smem:$0x3F9E] =	sst s1;
	(tag) =	ssettag s2;
	_ =	strace s9  }
0x27: {  	s1 =	sld [smem:$0x3FAE]  }
0x28: {  	s2 =	sld [smem:$0x3FAF]  }
0x29: {  	s4 =	sld [smem:$0x3FB1]  }
0x2a: {  	p0 =	seq.s32 s5, $0x0;
	s5 =	sld [smem:$0x3FB2]  }
0x2b: {  	s6 =	sld [smem:$0x3FB3]  }
0x2c: {  	s7 =	sld [smem:$0x3FB4]  }
0x2d: {  	s3 =	simm.s32 $0x108;
	s8 =	sld [smem:$0x3FB5]  }
0x2e: {  	s3 =	simm.s32 @!p0 $0x1082;
	s9 =	sld [smem:$0x3FB6]  }
0x2f: {  	lr =	sadd.s32 s0, s3;
	s0 =	sld [smem:$0x3FAD]  }
0x30: {  	s3 =	sld [smem:$0x3FB0]  }
0x31: {  	[smem:$0x3FB9] =	sst s10  }
0x32: {  	s10 =	sld [smem:$0x3FB7];
	_ =	sdelay $0x3  }
0x33: {  	p0 =	seq.s32 s10, $0x1;
	s10 =	sld [smem:$0x3FB9];
	_ =	sdelay $0x3  }
0x34: {  	[smem:$0x3FB9] =	sst s10  }
0x35: {  	s10 =	sld [smem:$0x3FB8];
	_ =	sdelay $0x3  }
0x36: {  	p1 =	seq.s32 s10, $0x1;
	s10 =	sld [smem:$0x3FB9];
	_ =	sdelay $0x3  }
0x37: {  	[smem:$0x3FB9] =	sst s10  }
0x38: {  	s10 =	sld [smem:$0x3FBA]  }
0x39: {  	_ = 	snop;
	(pc) =	sbr.ind lr, $3  }
0x3a: {  	_ = 	snop  }
0x3b: {  	_ = 	snop  }
0x3c: {  	p2 =	seq.s32 s10, $0x1;
	s10 =	sld [smem:$0x3FB9]  }
0x3d: {  	_ =	shalt  }
0x3e: {  	_ =	shalt  }
0x3f: {  	_ =	shalt  }
0x40: {  	_ =	shalt  }
0x41: {  	_ =	shalt  }
0x42: {  	_ =	shalt  }
0x43: {  	_ =	shalt  }
0x44: {  	_ =	shalt  }
0x45: {  	_ =	shalt  }
0x46: {  	_ =	shalt  }
0x47: {  	_ =	shalt  }
0x48: {  	_ =	shalt  }
0x49: {  	_ =	shalt  }
0x4a: {  	_ =	shalt  }
0x4b: {  	_ =	shalt  }
0x4c: {  	_ =	shalt  }
0x4d: {  	_ =	shalt  }
0x4e: {  	_ =	shalt  }
0x4f: {  	_ =	shalt  }
0x50: {  	_ =	shalt  }
0x51: {  	_ =	shalt  }
0x52: {  	_ =	shalt  }
0x53: {  	_ =	shalt  }
0x54: {  	_ =	shalt  }
0x55: {  	_ =	shalt  }
0x56: {  	_ =	shalt  }
0x57: {  	_ =	shalt  }
0x58: {  	_ =	shalt  }
0x59: {  	_ =	shalt  }
0x5a: {  	_ =	shalt  }
0x5b: {  	_ =	shalt  }
0x5c: {  	_ =	shalt  }
0x5d: {  	_ =	shalt  }
0x5e: {  	_ =	shalt  }
0x5f: {  	_ =	shalt  }
0x60: {  	_ =	shalt  }
0x61: {  	_ =	shalt  }
0x62: {  	_ =	shalt  }
0x63: {  	_ =	shalt  }
0x64: {  	_ =	shalt  }
0x65: {  	_ =	shalt  }
0x66: {  	_ =	shalt  }
0x67: {  	_ =	shalt  }
0x68: {  	_ =	shalt  }
0x69: {  	_ =	shalt  }
0x6a: {  	_ =	shalt  }
0x6b: {  	_ =	shalt  }
0x6c: {  	_ =	shalt  }
0x6d: {  	_ =	shalt  }
0x6e: {  	_ =	shalt  }
0x6f: {  	_ =	shalt  }
0x70: {  	_ =	shalt  }
0x71: {  	_ =	shalt  }
0x72: {  	_ =	shalt  }
0x73: {  	_ =	shalt  }
0x74: {  	_ =	shalt  }
0x75: {  	_ =	shalt  }
0x76: {  	_ =	shalt  }
0x77: {  	_ =	shalt  }
0x78: {  	_ =	shalt  }
0x79: {  	_ =	shalt  }
0x7a: {  	_ =	shalt  }
0x7b: {  	_ =	shalt  }
0x7c: {  	_ =	shalt  }
0x7d: {  	_ =	shalt  }
0x7e: {  	_ =	shalt  }
0x7f: {  	_ =	shalt  }
0x80: {  	_ =	shalt  }
0x81: {  	_ =	shalt  }
0x82: {  	_ =	shalt  }
0x83: {  	_ =	shalt  }
0x84: {  	_ =	shalt  }
0x85: {  	_ =	shalt  }
0x86: {  	_ =	shalt  }
0x87: {  	_ =	shalt  }
.Lfunc_end0:
.L_simem_size_0:
called_computation_lowered:
.L_overlay_start_0:
0x88: {  	s2 =	sld [smem:$0x3FD9]  }
0x89: {  	s3 =	sld [smem:$0x3FFE];
	_ =	sdelay $0x1  }
0x8a: {  	s1 =	srdreg.scid  }
0x8b: {  	s0 =	sand.u32 $0x1, s1  }
0x8c: {  	s17 =	sshll.u32 s0, $0xA;
	s2 =	sadd.s32 s3, s2  }
0x8d: {  	s2 =	sadd.s32 s2, s17  }
0x8e: {  	[smem:$0x3FC5] =	sst s2  }
0x8f: {  	_ = 	snop  }
0x90: {  	s2 =	sld [smem:$0x3FC8]  }
0x91: {  	s18 =	sld [smem:$0x3FC7]  }
0x92: {  	s4 =	sld [smem:$0x3FD0];
	(tm) =	ssettm $0x1  }
0x93: {  	s5 =	sld [smem:$0x3FFB];
	_ =	sdelay $0x3  }
0x94: {  	_ =	strace s5  }
0x95: {  	s5 =	sld [smem:$0x3FFC];
	_ =	sdelay $0x3  }
0x96: {  	_ =	strace s5  }
0x97: {  	s5 =	sld [smem:$0x3FFD];
	_ =	sdelay $0x3  }
0x98: {  	_ =	strace s5  }
0x99: {  	_ =	strace $0x8FFFFFFF  }
0x9a: {  	s19 =	sld [smem:$0x3FDB];
	_ =	sdelay $0x1  }
0x9b: {  	s6 =	simm.s32 $_scs_section_size  }
0x9c: {  	s7 =	simm.s32 $_size__tile_overlayer_lowered;
	s8 =	simm.s32 $_tile_overlayer_lowered  }
0x9d: {  	s22 =	simm.s32 $0x1BFF;
	s21 =	sshll.u32 s8, $0x1;
	s5 =	sadd.s32 s6, s19  }
0x9e: {  	s9 =	simm.s32 $0x0;
	s20 =	sshll.u32 s7, $0x1;
	s7 =	sadd.s32 s21, s5  }
0x9f: {  	[timem:s9], [sflag:s22] =	dma.local [hbm:s7], s20  }
0xa0: {  	_ =	swait.ge [sflag:s22], s20  }
0xa1: {  	s6 =	ssub.s32 $0x0, s20;
	[sflag:s22] =	ssyncset.done $0x0  }
0xa2: {  	[sflag:s22] =	ssyncadd.s32 s6;
	_ =	sdelay $0x1  }
0xa3: {  	s23 =	simm.s32 $0x1B8B  }
0xa4: {  	_ =	swait.ge [sflag:s23], $0x1  }
0xa5: {  	[sflag:s23] =	ssyncset.done $0x0  }
0xa6: {  	s25 =	simm.s32 $0x1B8E;
	s24 =	sld [smem:$0x3FFE];
	[sflag:s23] =	ssyncadd.s32 $0xFFFFFFFF  }
0xa7: {  	s26 =	simm.s32 $execute0_lowered;
	[smem:$0x3FD2] =	sst s25  }
0xa8: {  	s7 =	sshll.u32 s26, $0x1;
	_ =	strace $0x80000046;
	[dreg:$0x1] =	wrdreg $0xFFFFFFFF  }
0xa9: {  	s28 =	simm.s32 $_size_execute0_lowered;
	s5 =	sadd.s32 s5, s7;
	[dreg:$0x0] =	wrdreg $0x0  }
0xaa: {  	s7 =	sshll.u32 s28, $0x1;
	[dreg:$0x2] =	wrdreg s5  }
0xab: {  	[dreg:$0x3] =	wrdreg s7  }
0xac: {  	[dreg:$0x4] =	wrdreg $0xC0  }
0xad: {  	_ =	task [dreg:s9], $0x5FFFF  }
0xae: {  	[dreg:$0x1] =	wrdreg $0xFFFFFFFF  }
0xaf: {  	[dreg:$0x0] =	wrdreg $0x60  }
0xb0: {  	[dreg:$0x2] =	wrdreg s24  }
0xb1: {  	[dreg:$0x3] =	wrdreg s2  }
0xb2: {  	[dreg:$0x4] =	wrdreg s18  }
0xb3: {  	[dreg:$0x5] =	wrdreg s4  }
0xb4: {  	[dreg:$0x6] =	wrdreg $0x9  }
0xb5: {  	_ =	task.clear_ibuf [dreg:s9], $0x7FFFF;
	_ =	strace $0x90000046  }
0xb6: {  	s29 =	simm.s32 $0x9;
	_ =	strace $0x80000048  }
0xb7: {  	_ =	swait.ge [sflag:s29], $0x1  }
0xb8: {  	[sflag:s29] =	ssyncadd.s32 $0xFFFFFFFF  }
0xb9: {  	_ =	strace $0x90000048  }
0xba: {  	_ =	sfence  }
0xbb: {  	s30 =	sld [smem:$0x0];
	_ =	sdelay $0x2  }
0xbc: {  	s31 =	sshll.u32 s1, $0xD;
	s1 =	sshrl.u32 s1, $0x2  }
0xbd: {  	s3 =	sand.u32 $0x4000, s31;
	s1 =	sadd.s32 s1, s30  }
0xbe: {  	s0 =	sor.u32 s3, s0;
	s1 =	sshll.u32 s1, $0x11  }
0xbf: {  	s0 =	sor.u32 s1, s0  }
0xc0: {  	s0 =	sadd.s32 $0x8F2B, s0  }
0xc1: {  	[sflag:s0] =	ssyncadd.remote.s32 $0x1  }
0xc2: {  	_ =	sfence.sel $0xFFFF  }
0xc3: {  	[dreg:$0x0] =	wrdreg $0xFFFFFFFF;
	(pc) =	sbr.abs _section_cstart, $3  }
0xc4: {  	[dreg:$0x1] =	wrdreg $0xFFFFFFFF  }
0xc5: {  	_ =	task.clear_ibuf [dreg:s9], $0x2FFFF;
	_ =	strace $0x9FFFFFFF  }
0xc6: {  	(tm) =	ssettm $0x7FFFFFFF  }
0xc7: {  	_ =	shalt  }
tec
execute0_lowered:
.L_overlay_start_1:
0x0: {  	(tag) =	ssettag $0x1  }
0x1: {  	s0 =	rddreg [dreg:$0x0]  }
0x2: {  	s1 =	rddreg [dreg:$0x1];
	s2 =	srdreg.scid  }
0x3: {  	s4 =	stileid.u32;
	s3 =	rddreg [dreg:$0x2]  }
0x4: {  	s6 =	rddreg [dreg:$0x3];
	s8 =	simm.s32 $0x3;
	s9 =	simm.s32 $0x80  }
0x5: {  	s10 =	simm.s32 $0x600;
	s12 =	simm.s32 $0x4600;
	s14 =	simm.s32 $0x8600  }
0x6: {  	s15 =	simm.s32 $0x1;
	s16 =	simm.s32 $0xC600;
	s18 =	simm.s32 $0x10600  }
0x7: {  	s20 =	simm.s32 $0x14600;
	s21 =	simm.s32 $0x2;
	s28 =	simm.s32 $0x580  }
0x8: {  	s29 =	simm.s32 $0x18600;
	s2 =	sand.u32 $0x1, s2;
	s4 =	sshll.u32 s4, $0x1  }
0x9: {  	s30 =	simm.s32 $0x0;
	s7 =	sor.u32 s2, s4;
	s4 =	simm.s32 $0x0  }
0xa: {  	s2 =	ssub.s32 $0x2, s2;
	s5 =	smul.u32 $0xC0, s7;
	[smem:$0x7FF] =	sst s4  }
0xb: {  	s26 =	sshrl.u32 s2, $0x1;
	s31 =	sshll.u32 s7, $0x6;
	_ =	strace $0x80000047  }
0xc: {  	s2 =	ssub.s32 s2, s26;
	s6 =	sadd.s32 s6, s31;
	s0 =	sadd.s32 s5, s0  }
0xd: {  	v0 =	vlaneseq.u32;
	s26 =	simm.s32 $0x380;
	s7 =	smax.u32 s2, $0x1;
	s5 =	sadd.s32 $0x400, s0  }
.LBB2_1:
0xe: {  	[tilespmem:s4], [sflag:$0x3] =	stream.linear.gather [hbm4b:s5+s4], $0x600, $0x38;
	[tilespmem:$0x18800] =	vst v63  }
0xf: {  	_ =	swait.ge [sflag:s8], $0x600  }
0x10: {  	[sflag:s8] =	ssyncset.done $0x0  }
0x11: {  	[sflag:s8] =	ssyncadd.s32 $0xFFFFFA00  }
0x12: {  	[tilespmem:s10], [sflag:$0x1] =	stream.indirect.gather [hbm4b:s1+s9], $0x80, s4, s9, $0xb8;
	[tilespmem:$0x18800] =	vst v63  }
0x13: {  	s0 =	simm.s32 $0x200  }
0x14: {  	[tilespmem:s12], [sflag:$0x1] =	stream.indirect.gather [hbm4b:s3+s9], $0x80, s0, s9, $0xb8;
	[tilespmem:$0x18800] =	vst v63  }
0x15: {  	s23 =	simm.s32 $0x400  }
0x16: {  	[tilespmem:s14], [sflag:$0x1] =	stream.indirect.gather [hbm4b:s1+s9], $0x80, s23, s9, $0xb8;
	[tilespmem:$0x18800] =	vst v63  }
0x17: {  	_ =	swait.ge [sflag:s15], $0x4000  }
0x18: {  	[sflag:s15] =	ssyncset.done $0x0  }
0x19: {  	[sflag:s15] =	ssyncadd.s32 $0xFFFFC000  }
0x1a: {  	_ =	swait.ge [sflag:s15], $0x4000  }
0x1b: {  	[sflag:s15] =	ssyncset.done $0x0  }
0x1c: {  	[sflag:s15] =	ssyncadd.s32 $0xFFFFC000  }
0x1d: {  	_ =	swait.ge [sflag:s15], $0x4000  }
0x1e: {  	[sflag:s15] =	ssyncset.done $0x0  }
0x1f: {  	[sflag:s15] =	ssyncadd.s32 $0xFFFFC000  }
0x20: {  	[tilespmem:s16], [sflag:$0x2] =	stream.indirect.gather [hbm4b:s1+s9], $0x80, s9, s9, $0xb8;
	[tilespmem:$0x18800] =	vst v63  }
0x21: {  	s24 =	simm.s32 $0x280;
	s25 =	simm.s32 $0x480;
	s31 =	simm.s32 $0x640  }
0x22: {  	[tilespmem:s18], [sflag:$0x2] =	stream.indirect.gather [hbm4b:s3+s9], $0x80, s24, s9, $0xb8;
	[tilespmem:$0x18800] =	vst v63  }
0x23: {  	s2 =	simm.s32 $0x4640;
	s11 =	simm.s32 $0x0;
	s0 =	simm.s32 $0x8640  }
0x24: {  	[tilespmem:s20], [sflag:$0x2] =	stream.indirect.gather [hbm4b:s1+s9], $0x80, s25, s9, $0xb8;
	[tilespmem:$0x18800] =	vst v63  }
.LBB2_2:
0x25: {  	v2 =	vld [tilespmem:s0+$0x20]  }
0x26: {  	v11 =	vld [tilespmem:s0+$0x0]  }
0x27: {  	v4 =	vld [tilespmem:s31+$0x20]  }
0x28: {  	v5 =	vld [tilespmem:s2+$0x20]  }
0x29: {  	v6 =	vld [tilespmem:s31+$0x30]  }
0x2a: {  	v7 =	vld [tilespmem:s2+$0x30]  }
0x2b: {  	v10 =	vld [tilespmem:s0+$0xFFFFFFC0]  }
0x2c: {  	v12 =	vld [tilespmem:s0+$0xFFFFFFD0]  }
0x2d: {  	v8 =	vld [tilespmem:s31+$0x0]  }
0x2e: {  	v9 =	vld [tilespmem:s2+$0x0]  }
0x2f: {  	v13 =	vld [tilespmem:s31+$0x10]  }
0x30: {  	v14 =	vld [tilespmem:s2+$0x10]  }
0x31: {  	v15 =	vld [tilespmem:s31+$0xFFFFFFC0]  }
0x32: {  	v16 =	vld [tilespmem:s2+$0xFFFFFFC0]  }
0x33: {  	v17 =	vld [tilespmem:s31+$0xFFFFFFD0]  }
0x34: {  	v18 =	vld [tilespmem:s2+$0xFFFFFFD0]  }
0x35: {  	v19 =	vld [tilespmem:s31+$0xFFFFFFE0]  }
0x36: {  	v20 =	vld [tilespmem:s2+$0xFFFFFFE0]  }
0x37: {  	v21 =	vld [tilespmem:s31+$0xFFFFFFF0]  }
0x38: {  	v22 =	vld [tilespmem:s2+$0xFFFFFFF0]  }
0x39: {  	v23 =	vld [tilespmem:s0+$0xFFFFFFE0];
	v4 =	vadd.f32 v5, v4  }
0x3a: {  	v24 =	vld [tilespmem:s0+$0xFFFFFFF0];
	v27 =	vadd.f32 v9, v8;
	v28 =	vadd.f32 v7, v6  }
0x3b: {  	v25 =	vld [tilespmem:s0+$0x10];
	v6 =	vadd.f32 v16, v15;
	v13 =	vadd.f32 v14, v13  }
0x3c: {  	s13 =	sadd.s32 $0x80, s0;
	v26 =	vld [tilespmem:s0+$0x30];
	v14 =	vadd.f32 v18, v17;
	v15 =	vadd.f32 v20, v19  }
0x3d: {  	v3 =	vld [tilespmem:s13+$0x20];
	v16 =	vadd.f32 v22, v21;
	v2 =	vsub.f32 v4, v2  }
0x3e: {  	s17 =	sadd.s32 $0x80, s31;
	v1 =	vld [tilespmem:s13+$0x0];
	v17 =	vsub.f32 v6, v10;
	v14 =	vsub.f32 v14, v12  }
0x3f: {  	s19 =	sadd.s32 $0x80, s2;
	v5 =	vld [tilespmem:s17+$0x20];
	v15 =	vsub.f32 v15, v23;
	v16 =	vsub.f32 v16, v24  }
0x40: {  	v7 =	vld [tilespmem:s19+$0x20];
	v18 =	vsub.f32 v27, v11;
	v19 =	vsub.f32 v13, v25;
	v17 =	vand.u32 $0x7FFFFFFF, v17  }
0x41: {  	v8 =	vld [tilespmem:s17+$0x30];
	v13 =	vand.u32 $0x7FFFFFFF, v14;
	v14 =	vand.u32 $0x7FFFFFFF, v15;
	v15 =	vand.u32 $0x7FFFFFFF, v16  }
0x42: {  	v9 =	vld [tilespmem:s19+$0x30];
	v16 =	vadd.f32 v14, v17;
	v15 =	vadd.f32 v15, v13  }
0x43: {  	v20 =	vld [tilespmem:s19+$0xFFFFFFE0];
	v17 =	vand.u32 $0x7FFFFFFF, v18;
	v18 =	vand.u32 $0x7FFFFFFF, v19;
	v19 =	vsub.f32 v28, v26  }
0x44: {  	v4 =	vld [tilespmem:s13+$0xFFFFFFC0];
	v17 =	vadd.f32 v17, v16;
	v18 =	vadd.f32 v18, v15  }
0x45: {  	v6 =	vld [tilespmem:s13+$0xFFFFFFD0];
	v2 =	vand.u32 $0x7FFFFFFF, v2;
	v19 =	vand.u32 $0x7FFFFFFF, v19  }
0x46: {  	v10 =	vld [tilespmem:s17+$0x0];
	v2 =	vadd.f32 v2, v17;
	v19 =	vadd.f32 v19, v18  }
0x47: {  	v12 =	vld [tilespmem:s19+$0x0]  }
0x48: {  	v11 =	vld [tilespmem:s17+$0x10];
	v21 =	vadd.f32 v19, v2  }
0x49: {  	v13 =	vld [tilespmem:s19+$0x10]  }
0x4a: {  	v14 =	vld [tilespmem:s17+$0xFFFFFFC0];
	(xrf2) =	vadd.scan.msk.f32 $0xffff, v21  }
0x4b: {  	v16 =	vld [tilespmem:s19+$0xFFFFFFC0]  }
0x4c: {  	v15 =	vld [tilespmem:s17+$0xFFFFFFD0]  }
0x4d: {  	v17 =	vld [tilespmem:s19+$0xFFFFFFD0]  }
0x4e: {  	v18 =	vld [tilespmem:s17+$0xFFFFFFE0]  }
0x4f: {  	s23 =	simm.s32 $0x0;
	v19 =	vld [tilespmem:s17+$0xFFFFFFF0]  }
0x50: {  	s22 =	simm.s32 $0x1;
	s25 =	simm.s32 $0x2;
	s24 =	smov.u32 s13;
	v2 =	vimm.f32 $0.0e+00;
	v21 =	vld [tilespmem:s19+$0xFFFFFFF0]  }
.LBB2_3:
0x51: {  	p0 =	sne.s32 s25, $0xF;
	v22 =	vld [tilespmem:s13+$0xFFFFFFE0];
	v5 =	vadd.f32 v7, v5  }
0x52: {  	v10 =	vadd.f32 v12, v10;
	v12 =	vadd.f32 v9, v8;
	v7 =	vld [tilespmem:s13+$0xFFFFFFF0]  }
0x53: {  	v8 =	vadd.f32 v16, v14;
	v11 =	vadd.f32 v13, v11;
	s13 =	sadd.s32 $0x80, s13;
	v9 =	vld [tilespmem:s24+$0x10]  }
0x54: {  	v14 =	vadd.f32 v17, v15;
	v16 =	vmov s23;
	s23 =	smov.u32 s22;
	s22 =	smov.u32 s25;
	v15 =	vadd.f32 v20, v18;
	v13 =	vld [tilespmem:s13+$0x20];
	v17, _, _ =	vpop (xrf2)  }
0x55: {  	v18 =	vadd.f32 v21, v19;
	v19 =	vsub.f32 v5, v3;
	v20 =	vld [tilespmem:s24+$0x30];
	v3 =	vbroadcast v17, $0xF;
	s24 =	smov.u32 s13  }
0x56: {  	s17 =	sadd.s32 $0x80, s17;
	vm0 =	veq.s32 v16, v0;
	v4 =	vsub.f32 v8, v4;
	v6 =	vsub.f32 v14, v6;
	v17 =	vld [tilespmem:s13+$0x0]  }
0x57: {  	s19 =	sadd.s32 $0x80, s19;
	v14 =	vsub.f32 v15, v22;
	v5 =	vld [tilespmem:s17+$0x20];
	v15 =	vsub.f32 v18, v7;
	v2 =	vsel vm0, v3, v2  }
0x58: {  	v16 =	vsub.f32 v10, v1;
	v4 =	vand.u32 $0x7FFFFFFF, v4;
	v7 =	vld [tilespmem:s19+$0x20];
	v10 =	vsub.f32 v11, v9  }
0x59: {  	v6 =	vand.u32 $0x7FFFFFFF, v6;
	v11 =	vand.u32 $0x7FFFFFFF, v14;
	v8 =	vld [tilespmem:s17+$0x30];
	v14 =	vand.u32 $0x7FFFFFFF, v15;
	v3 =	vmovc v13  }
0x5a: {  	v11 =	vadd.f32 v11, v4;
	v9 =	vld [tilespmem:s19+$0x30];
	v13 =	vadd.f32 v14, v6  }
0x5b: {  	v14 =	vand.u32 $0x7FFFFFFF, v16;
	v10 =	vand.u32 $0x7FFFFFFF, v10;
	v12 =	vsub.f32 v12, v20;
	v4 =	vld [tilespmem:s13+$0xFFFFFFC0];
	v1 =	vmovc v17  }
0x5c: {  	v11 =	vadd.f32 v14, v11;
	v6 =	vld [tilespmem:s13+$0xFFFFFFD0];
	v13 =	vadd.f32 v10, v13  }
0x5d: {  	v14 =	vand.u32 $0x7FFFFFFF, v19;
	v15 =	vand.u32 $0x7FFFFFFF, v12;
	v10 =	vld [tilespmem:s17+$0x0]  }
0x5e: {  	v14 =	vadd.f32 v14, v11;
	v12 =	vld [tilespmem:s19+$0x0];
	v15 =	vadd.f32 v15, v13  }
0x5f: {  	v11 =	vld [tilespmem:s17+$0x10]  }
0x60: {  	v13 =	vld [tilespmem:s19+$0x10];
	v15 =	vadd.f32 v15, v14  }
0x61: {  	v14 =	vld [tilespmem:s17+$0xFFFFFFC0]  }
0x62: {  	v16 =	vld [tilespmem:s19+$0xFFFFFFC0];
	(xrf2) =	vadd.scan.msk.f32 $0xffff, v15  }
0x63: {  	v15 =	vld [tilespmem:s17+$0xFFFFFFD0]  }
.Ltmp0:
0x64: {  	v17 =	vld [tilespmem:s19+$0xFFFFFFD0];
	(pc) =	sbr.rel @p0 .LBB2_3-.Ltmp0, $4  }
0x65: {  	v18 =	vld [tilespmem:s17+$0xFFFFFFE0]  }
0x66: {  	v20 =	vld [tilespmem:s19+$0xFFFFFFE0]  }
0x67: {  	v19 =	vld [tilespmem:s17+$0xFFFFFFF0]  }
0x68: {  	s25 =	sadd.s32 $0x1, s25;
	v21 =	vld [tilespmem:s19+$0xFFFFFFF0]  }
0x69: {  	v22 =	vld [tilespmem:s13+$0xFFFFFFE0];
	v5 =	vadd.f32 v7, v5  }
0x6a: {  	v52 =	vld [tilespmem:s13+$0xFFFFFFF0];
	v10 =	vadd.f32 v12, v10;
	v8 =	vadd.f32 v9, v8  }
0x6b: {  	v53 =	vadd.f32 v16, v14;
	v11 =	vadd.f32 v13, v11  }
0x6c: {  	v54 =	vld [tilespmem:s24+$0x10];
	v55 =	vadd.f32 v17, v15;
	v56 =	vadd.f32 v20, v18  }
0x6d: {  	v3 =	vsub.f32 v5, v3;
	v57 =	vadd.f32 v21, v19  }
0x6e: {  	v58 =	vld [tilespmem:s24+$0x30];
	v4 =	vsub.f32 v53, v4;
	v6 =	vsub.f32 v55, v6  }
0x6f: {  	v59 =	vsub.f32 v56, v22;
	v7 =	vsub.f32 v57, v52  }
0x70: {  	v1 =	vsub.f32 v10, v1;
	v4 =	vand.u32 $0x7FFFFFFF, v4;
	v6 =	vand.u32 $0x7FFFFFFF, v6  }
0x71: {  	v60 =	vsub.f32 v11, v54;
	v9 =	vand.u32 $0x7FFFFFFF, v59;
	v7 =	vand.u32 $0x7FFFFFFF, v7  }
0x72: {  	v4 =	vadd.f32 v9, v4;
	v6 =	vadd.f32 v7, v6  }
0x73: {  	v1 =	vand.u32 $0x7FFFFFFF, v1;
	v5 =	vsub.f32 v8, v58;
	v61 =	vand.u32 $0x7FFFFFFF, v60  }
0x74: {  	v1 =	vadd.f32 v1, v4;
	v62 =	vadd.f32 v61, v6  }
0x75: {  	v3 =	vand.u32 $0x7FFFFFFF, v3;
	v5 =	vand.u32 $0x7FFFFFFF, v5  }
0x76: {  	v1 =	vadd.f32 v3, v1;
	v3 =	vadd.f32 v5, v62;
	_ =	sdelay $0x1  }
0x77: {  	v1 =	vadd.f32 v3, v1;
	_ =	sdelay $0x1  }
0x78: {  	(xrf2) =	vadd.scan.msk.f32 $0xffff, v1;
	_ =	sdelay $0x8  }
0x79: {  	v1, _, _ =	vpop (xrf2)  }
0x7a: {  	s25 =	sshll.u32 s11, $0x4;
	s11 =	sadd.s32 $0x1, s11;
	v3 =	vmov s23;
	v1 =	vbroadcast v1, $0xF;
	v63, _, _ =	vpop (xrf2)  }
0x7b: {  	p0 =	sne.s32 s11, $0x8;
	vm0 =	veq.s32 v3, v0;
	v3 =	vmov s22;
	v4 =	vbroadcast v63, $0xF  }
.Ltmp1:
0x7c: {  	vm15 =	veq.s32 v3, v0;
	v1 =	vsel vm0, v1, v2;
	(pc) =	sbr.rel @p0 .LBB2_2-.Ltmp1, $4  }
0x7d: {  	v1 =	vsel vm15, v4, v1  }
0x7e: {  	v1 =	vsub.f32 $0.0e+00, v1  }
0x7f: {  	s13 =	sand.u32 $0x3FFFFFF0, s25  }
0x80: {  	s31 =	sadd.s32 $0x800, s31;
	s2 =	sadd.s32 $0x800, s2;
	s0 =	sadd.s32 $0x800, s0;
	[tilespmem:s13+$0x18600] =	vst v1  }
0x81: {  	_ =	swait.ge [sflag:s21], $0x4000  }
0x82: {  	[sflag:s21] =	ssyncset.done $0x0  }
0x83: {  	[sflag:s21] =	ssyncadd.s32 $0xFFFFC000  }
0x84: {  	_ =	swait.ge [sflag:s21], $0x4000  }
0x85: {  	[sflag:s21] =	ssyncset.done $0x0  }
0x86: {  	[sflag:s21] =	ssyncadd.s32 $0xFFFFC000  }
0x87: {  	_ =	swait.ge [sflag:s21], $0x4000  }
0x88: {  	[sflag:s21] =	ssyncset.done $0x0  }
0x89: {  	s0 =	simm.s32 $0x100;
	[sflag:s21] =	ssyncadd.s32 $0xFFFFC000  }
0x8a: {  	[tilespmem:s10], [sflag:$0x1] =	stream.indirect.gather [hbm4b:s1+s9], $0x80, s0, s9, $0xb8;
	[tilespmem:$0x18800] =	vst v63  }
0x8b: {  	s24 =	simm.s32 $0x300;
	s25 =	simm.s32 $0x500;
	s31 =	simm.s32 $0x0  }
0x8c: {  	[tilespmem:s12], [sflag:$0x1] =	stream.indirect.gather [hbm4b:s3+s9], $0x80, s24, s9, $0xb8;
	[tilespmem:$0x18800] =	vst v63  }
0x8d: {  	s2 =	simm.s32 $0xC640;
	s11 =	simm.s32 $0x14640;
	s0 =	simm.s32 $0x10640  }
0x8e: {  	[tilespmem:s14], [sflag:$0x1] =	stream.indirect.gather [hbm4b:s1+s9], $0x80, s25, s9, $0xb8;
	[tilespmem:$0x18800] =	vst v63  }
.LBB2_6:
0x8f: {  	v2 =	vld [tilespmem:s11+$0x20]  }
0x90: {  	v11 =	vld [tilespmem:s11+$0x0]  }
0x91: {  	v4 =	vld [tilespmem:s2+$0x20]  }
0x92: {  	v5 =	vld [tilespmem:s0+$0x20]  }
0x93: {  	v6 =	vld [tilespmem:s2+$0x30]  }
0x94: {  	v7 =	vld [tilespmem:s0+$0x30]  }
0x95: {  	v10 =	vld [tilespmem:s11+$0xFFFFFFC0]  }
0x96: {  	v12 =	vld [tilespmem:s11+$0xFFFFFFD0]  }
0x97: {  	v8 =	vld [tilespmem:s2+$0x0]  }
0x98: {  	v9 =	vld [tilespmem:s0+$0x0]  }
0x99: {  	v13 =	vld [tilespmem:s2+$0x10]  }
0x9a: {  	v14 =	vld [tilespmem:s0+$0x10]  }
0x9b: {  	v15 =	vld [tilespmem:s2+$0xFFFFFFC0]  }
0x9c: {  	v16 =	vld [tilespmem:s0+$0xFFFFFFC0]  }
0x9d: {  	v17 =	vld [tilespmem:s2+$0xFFFFFFD0]  }
0x9e: {  	v18 =	vld [tilespmem:s0+$0xFFFFFFD0]  }
0x9f: {  	v19 =	vld [tilespmem:s2+$0xFFFFFFE0]  }
0xa0: {  	v20 =	vld [tilespmem:s0+$0xFFFFFFE0]  }
0xa1: {  	v21 =	vld [tilespmem:s2+$0xFFFFFFF0]  }
0xa2: {  	v22 =	vld [tilespmem:s0+$0xFFFFFFF0]  }
0xa3: {  	v23 =	vld [tilespmem:s11+$0xFFFFFFE0];
	v4 =	vadd.f32 v5, v4  }
0xa4: {  	v24 =	vld [tilespmem:s11+$0xFFFFFFF0];
	v27 =	vadd.f32 v9, v8;
	v28 =	vadd.f32 v7, v6  }
0xa5: {  	v25 =	vld [tilespmem:s11+$0x10];
	v6 =	vadd.f32 v16, v15;
	v13 =	vadd.f32 v14, v13  }
0xa6: {  	s13 =	sadd.s32 $0x80, s11;
	v26 =	vld [tilespmem:s11+$0x30];
	v14 =	vadd.f32 v18, v17;
	v15 =	vadd.f32 v20, v19  }
0xa7: {  	v3 =	vld [tilespmem:s13+$0x20];
	v16 =	vadd.f32 v22, v21;
	v2 =	vsub.f32 v4, v2  }
0xa8: {  	s17 =	sadd.s32 $0x80, s2;
	v1 =	vld [tilespmem:s13+$0x0];
	v17 =	vsub.f32 v6, v10;
	v14 =	vsub.f32 v14, v12  }
0xa9: {  	s19 =	sadd.s32 $0x80, s0;
	v5 =	vld [tilespmem:s17+$0x20];
	v15 =	vsub.f32 v15, v23;
	v16 =	vsub.f32 v16, v24  }
0xaa: {  	v7 =	vld [tilespmem:s19+$0x20];
	v18 =	vsub.f32 v27, v11;
	v19 =	vsub.f32 v13, v25;
	v17 =	vand.u32 $0x7FFFFFFF, v17  }
0xab: {  	v8 =	vld [tilespmem:s17+$0x30];
	v13 =	vand.u32 $0x7FFFFFFF, v14;
	v14 =	vand.u32 $0x7FFFFFFF, v15;
	v15 =	vand.u32 $0x7FFFFFFF, v16  }
0xac: {  	v9 =	vld [tilespmem:s19+$0x30];
	v16 =	vadd.f32 v14, v17;
	v15 =	vadd.f32 v15, v13  }
0xad: {  	v20 =	vld [tilespmem:s19+$0xFFFFFFE0];
	v17 =	vand.u32 $0x7FFFFFFF, v18;
	v18 =	vand.u32 $0x7FFFFFFF, v19;
	v19 =	vsub.f32 v28, v26  }
0xae: {  	v4 =	vld [tilespmem:s13+$0xFFFFFFC0];
	v17 =	vadd.f32 v17, v16;
	v18 =	vadd.f32 v18, v15  }
0xaf: {  	v6 =	vld [tilespmem:s13+$0xFFFFFFD0];
	v2 =	vand.u32 $0x7FFFFFFF, v2;
	v19 =	vand.u32 $0x7FFFFFFF, v19  }
0xb0: {  	v10 =	vld [tilespmem:s17+$0x0];
	v2 =	vadd.f32 v2, v17;
	v19 =	vadd.f32 v19, v18  }
0xb1: {  	v12 =	vld [tilespmem:s19+$0x0]  }
0xb2: {  	v11 =	vld [tilespmem:s17+$0x10];
	v21 =	vadd.f32 v19, v2  }
0xb3: {  	v13 =	vld [tilespmem:s19+$0x10]  }
0xb4: {  	v14 =	vld [tilespmem:s17+$0xFFFFFFC0];
	(xrf2) =	vadd.scan.msk.f32 $0xffff, v21  }
0xb5: {  	v16 =	vld [tilespmem:s19+$0xFFFFFFC0]  }
0xb6: {  	v15 =	vld [tilespmem:s17+$0xFFFFFFD0]  }
0xb7: {  	v17 =	vld [tilespmem:s19+$0xFFFFFFD0]  }
0xb8: {  	v18 =	vld [tilespmem:s17+$0xFFFFFFE0]  }
0xb9: {  	s22 =	simm.s32 $0x1;
	v19 =	vld [tilespmem:s17+$0xFFFFFFF0]  }
0xba: {  	s25 =	simm.s32 $0x2;
	s23 =	simm.s32 $0x0;
	s24 =	smov.u32 s13;
	v2 =	vimm.f32 $0.0e+00;
	v21 =	vld [tilespmem:s19+$0xFFFFFFF0]  }
.LBB2_7:
0xbb: {  	p0 =	sne.s32 s25, $0xF;
	v22 =	vld [tilespmem:s13+$0xFFFFFFE0];
	v5 =	vadd.f32 v7, v5  }
0xbc: {  	v10 =	vadd.f32 v12, v10;
	v12 =	vadd.f32 v9, v8;
	v7 =	vld [tilespmem:s13+$0xFFFFFFF0]  }
0xbd: {  	v8 =	vadd.f32 v16, v14;
	v11 =	vadd.f32 v13, v11;
	s13 =	sadd.s32 $0x80, s13;
	v9 =	vld [tilespmem:s24+$0x10]  }
0xbe: {  	v14 =	vadd.f32 v17, v15;
	v16 =	vmov s23;
	s23 =	smov.u32 s22;
	s22 =	smov.u32 s25;
	v15 =	vadd.f32 v20, v18;
	v13 =	vld [tilespmem:s13+$0x20];
	v17, _, _ =	vpop (xrf2)  }
0xbf: {  	v18 =	vadd.f32 v21, v19;
	v19 =	vsub.f32 v5, v3;
	v20 =	vld [tilespmem:s24+$0x30];
	v3 =	vbroadcast v17, $0xF;
	s24 =	smov.u32 s13  }
0xc0: {  	s17 =	sadd.s32 $0x80, s17;
	vm0 =	veq.s32 v16, v0;
	v4 =	vsub.f32 v8, v4;
	v6 =	vsub.f32 v14, v6;
	v17 =	vld [tilespmem:s13+$0x0]  }
0xc1: {  	s19 =	sadd.s32 $0x80, s19;
	v14 =	vsub.f32 v15, v22;
	v5 =	vld [tilespmem:s17+$0x20];
	v15 =	vsub.f32 v18, v7;
	v2 =	vsel vm0, v3, v2  }
0xc2: {  	v16 =	vsub.f32 v10, v1;
	v4 =	vand.u32 $0x7FFFFFFF, v4;
	v7 =	vld [tilespmem:s19+$0x20];
	v10 =	vsub.f32 v11, v9  }
0xc3: {  	v6 =	vand.u32 $0x7FFFFFFF, v6;
	v11 =	vand.u32 $0x7FFFFFFF, v14;
	v8 =	vld [tilespmem:s17+$0x30];
	v14 =	vand.u32 $0x7FFFFFFF, v15;
	v3 =	vmovc v13  }
0xc4: {  	v11 =	vadd.f32 v11, v4;
	v9 =	vld [tilespmem:s19+$0x30];
	v13 =	vadd.f32 v14, v6  }
0xc5: {  	v14 =	vand.u32 $0x7FFFFFFF, v16;
	v10 =	vand.u32 $0x7FFFFFFF, v10;
	v12 =	vsub.f32 v12, v20;
	v4 =	vld [tilespmem:s13+$0xFFFFFFC0];
	v1 =	vmovc v17  }
0xc6: {  	v11 =	vadd.f32 v14, v11;
	v6 =	vld [tilespmem:s13+$0xFFFFFFD0];
	v13 =	vadd.f32 v10, v13  }
0xc7: {  	v14 =	vand.u32 $0x7FFFFFFF, v19;
	v15 =	vand.u32 $0x7FFFFFFF, v12;
	v10 =	vld [tilespmem:s17+$0x0]  }
0xc8: {  	v14 =	vadd.f32 v14, v11;
	v12 =	vld [tilespmem:s19+$0x0];
	v15 =	vadd.f32 v15, v13  }
0xc9: {  	v11 =	vld [tilespmem:s17+$0x10]  }
0xca: {  	v13 =	vld [tilespmem:s19+$0x10];
	v15 =	vadd.f32 v15, v14  }
0xcb: {  	v14 =	vld [tilespmem:s17+$0xFFFFFFC0]  }
0xcc: {  	v16 =	vld [tilespmem:s19+$0xFFFFFFC0];
	(xrf2) =	vadd.scan.msk.f32 $0xffff, v15  }
0xcd: {  	v15 =	vld [tilespmem:s17+$0xFFFFFFD0]  }
.Ltmp2:
0xce: {  	v17 =	vld [tilespmem:s19+$0xFFFFFFD0];
	(pc) =	sbr.rel @p0 .LBB2_7-.Ltmp2, $4  }
0xcf: {  	v18 =	vld [tilespmem:s17+$0xFFFFFFE0]  }
0xd0: {  	v20 =	vld [tilespmem:s19+$0xFFFFFFE0]  }
0xd1: {  	v19 =	vld [tilespmem:s17+$0xFFFFFFF0]  }
0xd2: {  	s25 =	sadd.s32 $0x1, s25;
	v21 =	vld [tilespmem:s19+$0xFFFFFFF0]  }
0xd3: {  	v22 =	vld [tilespmem:s13+$0xFFFFFFE0];
	v5 =	vadd.f32 v7, v5  }
0xd4: {  	v52 =	vld [tilespmem:s13+$0xFFFFFFF0];
	v10 =	vadd.f32 v12, v10;
	v8 =	vadd.f32 v9, v8  }
0xd5: {  	v53 =	vadd.f32 v16, v14;
	v11 =	vadd.f32 v13, v11  }
0xd6: {  	v54 =	vld [tilespmem:s24+$0x10];
	v55 =	vadd.f32 v17, v15;
	v56 =	vadd.f32 v20, v18  }
0xd7: {  	v3 =	vsub.f32 v5, v3;
	v57 =	vadd.f32 v21, v19  }
0xd8: {  	v58 =	vld [tilespmem:s24+$0x30];
	v4 =	vsub.f32 v53, v4;
	v6 =	vsub.f32 v55, v6  }
0xd9: {  	v59 =	vsub.f32 v56, v22;
	v7 =	vsub.f32 v57, v52  }
0xda: {  	v1 =	vsub.f32 v10, v1;
	v4 =	vand.u32 $0x7FFFFFFF, v4;
	v6 =	vand.u32 $0x7FFFFFFF, v6  }
0xdb: {  	v60 =	vsub.f32 v11, v54;
	v9 =	vand.u32 $0x7FFFFFFF, v59;
	v7 =	vand.u32 $0x7FFFFFFF, v7  }
0xdc: {  	v4 =	vadd.f32 v9, v4;
	v6 =	vadd.f32 v7, v6  }
0xdd: {  	v1 =	vand.u32 $0x7FFFFFFF, v1;
	v5 =	vsub.f32 v8, v58;
	v61 =	vand.u32 $0x7FFFFFFF, v60  }
0xde: {  	v1 =	vadd.f32 v1, v4;
	v62 =	vadd.f32 v61, v6  }
0xdf: {  	v3 =	vand.u32 $0x7FFFFFFF, v3;
	v5 =	vand.u32 $0x7FFFFFFF, v5  }
0xe0: {  	v1 =	vadd.f32 v3, v1;
	v3 =	vadd.f32 v5, v62;
	_ =	sdelay $0x1  }
0xe1: {  	v1 =	vadd.f32 v3, v1;
	_ =	sdelay $0x1  }
0xe2: {  	(xrf2) =	vadd.scan.msk.f32 $0xffff, v1;
	_ =	sdelay $0x8  }
0xe3: {  	v1, _, _ =	vpop (xrf2)  }
0xe4: {  	s25 =	sshll.u32 s31, $0x4;
	s31 =	sadd.s32 $0x1, s31;
	v3 =	vmov s23;
	v1 =	vbroadcast v1, $0xF;
	v63, _, _ =	vpop (xrf2)  }
0xe5: {  	p0 =	sne.s32 s31, $0x8;
	vm0 =	veq.s32 v3, v0;
	v3 =	vmov s22;
	v4 =	vbroadcast v63, $0xF  }
.Ltmp3:
0xe6: {  	vm15 =	veq.s32 v3, v0;
	v1 =	vsel vm0, v1, v2;
	(pc) =	sbr.rel @p0 .LBB2_6-.Ltmp3, $4  }
0xe7: {  	v1 =	vsel vm15, v4, v1  }
0xe8: {  	v1 =	vsub.f32 $0.0e+00, v1  }
0xe9: {  	s13 =	sand.u32 $0x3FFFFFF0, s25  }
0xea: {  	s2 =	sadd.s32 $0x800, s2;
	s0 =	sadd.s32 $0x800, s0;
	s11 =	sadd.s32 $0x800, s11;
	[tilespmem:s13+$0x18680] =	vst v1  }
0xeb: {  	_ =	swait.ge [sflag:s15], $0x4000  }
0xec: {  	[sflag:s15] =	ssyncset.done $0x0  }
0xed: {  	[sflag:s15] =	ssyncadd.s32 $0xFFFFC000  }
0xee: {  	_ =	swait.ge [sflag:s15], $0x4000  }
0xef: {  	[sflag:s15] =	ssyncset.done $0x0  }
0xf0: {  	[sflag:s15] =	ssyncadd.s32 $0xFFFFC000  }
0xf1: {  	_ =	swait.ge [sflag:s15], $0x4000  }
0xf2: {  	[sflag:s15] =	ssyncset.done $0x0  }
0xf3: {  	s0 =	simm.s32 $0x180;
	[sflag:s15] =	ssyncadd.s32 $0xFFFFC000  }
0xf4: {  	[tilespmem:s16], [sflag:$0x2] =	stream.indirect.gather [hbm4b:s1+s9], $0x80, s0, s9, $0xb8;
	[tilespmem:$0x18800] =	vst v63  }
0xf5: {  	s31 =	simm.s32 $0x0  }
0xf6: {  	[tilespmem:s18], [sflag:$0x2] =	stream.indirect.gather [hbm4b:s3+s9], $0x80, s26, s9, $0xb8;
	[tilespmem:$0x18800] =	vst v63  }
0xf7: {  	s2 =	simm.s32 $0x640;
	s11 =	simm.s32 $0x8640;
	s0 =	simm.s32 $0x4640  }
0xf8: {  	[tilespmem:s20], [sflag:$0x2] =	stream.indirect.gather [hbm4b:s1+s9], $0x80, s28, s9, $0xb8;
	[tilespmem:$0x18800] =	vst v63  }
.LBB2_10:
0xf9: {  	v2 =	vld [tilespmem:s11+$0x20]  }
0xfa: {  	v11 =	vld [tilespmem:s11+$0x0]  }
0xfb: {  	v4 =	vld [tilespmem:s2+$0x20]  }
0xfc: {  	v5 =	vld [tilespmem:s0+$0x20]  }
0xfd: {  	v6 =	vld [tilespmem:s2+$0x30]  }
0xfe: {  	v7 =	vld [tilespmem:s0+$0x30]  }
0xff: {  	v10 =	vld [tilespmem:s11+$0xFFFFFFC0]  }
0x100: {  	v12 =	vld [tilespmem:s11+$0xFFFFFFD0]  }
0x101: {  	v8 =	vld [tilespmem:s2+$0x0]  }
0x102: {  	v9 =	vld [tilespmem:s0+$0x0]  }
0x103: {  	v13 =	vld [tilespmem:s2+$0x10]  }
0x104: {  	v14 =	vld [tilespmem:s0+$0x10]  }
0x105: {  	v15 =	vld [tilespmem:s2+$0xFFFFFFC0]  }
0x106: {  	v16 =	vld [tilespmem:s0+$0xFFFFFFC0]  }
0x107: {  	v17 =	vld [tilespmem:s2+$0xFFFFFFD0]  }
0x108: {  	v18 =	vld [tilespmem:s0+$0xFFFFFFD0]  }
0x109: {  	v19 =	vld [tilespmem:s2+$0xFFFFFFE0]  }
0x10a: {  	v20 =	vld [tilespmem:s0+$0xFFFFFFE0]  }
0x10b: {  	v21 =	vld [tilespmem:s2+$0xFFFFFFF0]  }
0x10c: {  	v22 =	vld [tilespmem:s0+$0xFFFFFFF0]  }
0x10d: {  	v23 =	vld [tilespmem:s11+$0xFFFFFFE0];
	v4 =	vadd.f32 v5, v4  }
0x10e: {  	v24 =	vld [tilespmem:s11+$0xFFFFFFF0];
	v27 =	vadd.f32 v9, v8;
	v28 =	vadd.f32 v7, v6  }
0x10f: {  	v25 =	vld [tilespmem:s11+$0x10];
	v6 =	vadd.f32 v16, v15;
	v13 =	vadd.f32 v14, v13  }
0x110: {  	s13 =	sadd.s32 $0x80, s11;
	v26 =	vld [tilespmem:s11+$0x30];
	v14 =	vadd.f32 v18, v17;
	v15 =	vadd.f32 v20, v19  }
0x111: {  	v3 =	vld [tilespmem:s13+$0x20];
	v16 =	vadd.f32 v22, v21;
	v2 =	vsub.f32 v4, v2  }
0x112: {  	s17 =	sadd.s32 $0x80, s2;
	v1 =	vld [tilespmem:s13+$0x0];
	v17 =	vsub.f32 v6, v10;
	v14 =	vsub.f32 v14, v12  }
0x113: {  	s19 =	sadd.s32 $0x80, s0;
	v5 =	vld [tilespmem:s17+$0x20];
	v15 =	vsub.f32 v15, v23;
	v16 =	vsub.f32 v16, v24  }
0x114: {  	v7 =	vld [tilespmem:s19+$0x20];
	v18 =	vsub.f32 v27, v11;
	v19 =	vsub.f32 v13, v25;
	v17 =	vand.u32 $0x7FFFFFFF, v17  }
0x115: {  	v8 =	vld [tilespmem:s17+$0x30];
	v13 =	vand.u32 $0x7FFFFFFF, v14;
	v14 =	vand.u32 $0x7FFFFFFF, v15;
	v15 =	vand.u32 $0x7FFFFFFF, v16  }
0x116: {  	v9 =	vld [tilespmem:s19+$0x30];
	v16 =	vadd.f32 v14, v17;
	v15 =	vadd.f32 v15, v13  }
0x117: {  	v20 =	vld [tilespmem:s19+$0xFFFFFFE0];
	v17 =	vand.u32 $0x7FFFFFFF, v18;
	v18 =	vand.u32 $0x7FFFFFFF, v19;
	v19 =	vsub.f32 v28, v26  }
0x118: {  	v4 =	vld [tilespmem:s13+$0xFFFFFFC0];
	v17 =	vadd.f32 v17, v16;
	v18 =	vadd.f32 v18, v15  }
0x119: {  	v6 =	vld [tilespmem:s13+$0xFFFFFFD0];
	v2 =	vand.u32 $0x7FFFFFFF, v2;
	v19 =	vand.u32 $0x7FFFFFFF, v19  }
0x11a: {  	v10 =	vld [tilespmem:s17+$0x0];
	v2 =	vadd.f32 v2, v17;
	v19 =	vadd.f32 v19, v18  }
0x11b: {  	v12 =	vld [tilespmem:s19+$0x0]  }
0x11c: {  	v11 =	vld [tilespmem:s17+$0x10];
	v21 =	vadd.f32 v19, v2  }
0x11d: {  	v13 =	vld [tilespmem:s19+$0x10]  }
0x11e: {  	v14 =	vld [tilespmem:s17+$0xFFFFFFC0];
	(xrf2) =	vadd.scan.msk.f32 $0xffff, v21  }
0x11f: {  	v16 =	vld [tilespmem:s19+$0xFFFFFFC0]  }
0x120: {  	v15 =	vld [tilespmem:s17+$0xFFFFFFD0]  }
0x121: {  	v17 =	vld [tilespmem:s19+$0xFFFFFFD0]  }
0x122: {  	v18 =	vld [tilespmem:s17+$0xFFFFFFE0]  }
0x123: {  	s22 =	simm.s32 $0x1;
	v19 =	vld [tilespmem:s17+$0xFFFFFFF0]  }
0x124: {  	s25 =	simm.s32 $0x2;
	s23 =	simm.s32 $0x0;
	s24 =	smov.u32 s13;
	v2 =	vimm.f32 $0.0e+00;
	v21 =	vld [tilespmem:s19+$0xFFFFFFF0]  }
.LBB2_11:
0x125: {  	p0 =	sne.s32 s25, $0xF;
	v22 =	vld [tilespmem:s13+$0xFFFFFFE0];
	v5 =	vadd.f32 v7, v5  }
0x126: {  	v10 =	vadd.f32 v12, v10;
	v12 =	vadd.f32 v9, v8;
	v7 =	vld [tilespmem:s13+$0xFFFFFFF0]  }
0x127: {  	v8 =	vadd.f32 v16, v14;
	v11 =	vadd.f32 v13, v11;
	s13 =	sadd.s32 $0x80, s13;
	v9 =	vld [tilespmem:s24+$0x10]  }
0x128: {  	v14 =	vadd.f32 v17, v15;
	v16 =	vmov s23;
	s23 =	smov.u32 s22;
	s22 =	smov.u32 s25;
	v15 =	vadd.f32 v20, v18;
	v13 =	vld [tilespmem:s13+$0x20];
	v17, _, _ =	vpop (xrf2)  }
0x129: {  	v18 =	vadd.f32 v21, v19;
	v19 =	vsub.f32 v5, v3;
	v20 =	vld [tilespmem:s24+$0x30];
	v3 =	vbroadcast v17, $0xF;
	s24 =	smov.u32 s13  }
0x12a: {  	s17 =	sadd.s32 $0x80, s17;
	vm0 =	veq.s32 v16, v0;
	v4 =	vsub.f32 v8, v4;
	v6 =	vsub.f32 v14, v6;
	v17 =	vld [tilespmem:s13+$0x0]  }
0x12b: {  	s19 =	sadd.s32 $0x80, s19;
	v14 =	vsub.f32 v15, v22;
	v5 =	vld [tilespmem:s17+$0x20];
	v15 =	vsub.f32 v18, v7;
	v2 =	vsel vm0, v3, v2  }
0x12c: {  	v16 =	vsub.f32 v10, v1;
	v4 =	vand.u32 $0x7FFFFFFF, v4;
	v7 =	vld [tilespmem:s19+$0x20];
	v10 =	vsub.f32 v11, v9  }
0x12d: {  	v6 =	vand.u32 $0x7FFFFFFF, v6;
	v11 =	vand.u32 $0x7FFFFFFF, v14;
	v8 =	vld [tilespmem:s17+$0x30];
	v14 =	vand.u32 $0x7FFFFFFF, v15;
	v3 =	vmovc v13  }
0x12e: {  	v11 =	vadd.f32 v11, v4;
	v9 =	vld [tilespmem:s19+$0x30];
	v13 =	vadd.f32 v14, v6  }
0x12f: {  	v14 =	vand.u32 $0x7FFFFFFF, v16;
	v10 =	vand.u32 $0x7FFFFFFF, v10;
	v12 =	vsub.f32 v12, v20;
	v4 =	vld [tilespmem:s13+$0xFFFFFFC0];
	v1 =	vmovc v17  }
0x130: {  	v11 =	vadd.f32 v14, v11;
	v6 =	vld [tilespmem:s13+$0xFFFFFFD0];
	v13 =	vadd.f32 v10, v13  }
0x131: {  	v14 =	vand.u32 $0x7FFFFFFF, v19;
	v15 =	vand.u32 $0x7FFFFFFF, v12;
	v10 =	vld [tilespmem:s17+$0x0]  }
0x132: {  	v14 =	vadd.f32 v14, v11;
	v12 =	vld [tilespmem:s19+$0x0];
	v15 =	vadd.f32 v15, v13  }
0x133: {  	v11 =	vld [tilespmem:s17+$0x10]  }
0x134: {  	v13 =	vld [tilespmem:s19+$0x10];
	v15 =	vadd.f32 v15, v14  }
0x135: {  	v14 =	vld [tilespmem:s17+$0xFFFFFFC0]  }
0x136: {  	v16 =	vld [tilespmem:s19+$0xFFFFFFC0];
	(xrf2) =	vadd.scan.msk.f32 $0xffff, v15  }
0x137: {  	v15 =	vld [tilespmem:s17+$0xFFFFFFD0]  }
.Ltmp4:
0x138: {  	v17 =	vld [tilespmem:s19+$0xFFFFFFD0];
	(pc) =	sbr.rel @p0 .LBB2_11-.Ltmp4, $4  }
0x139: {  	v18 =	vld [tilespmem:s17+$0xFFFFFFE0]  }
0x13a: {  	v20 =	vld [tilespmem:s19+$0xFFFFFFE0]  }
0x13b: {  	v19 =	vld [tilespmem:s17+$0xFFFFFFF0]  }
0x13c: {  	s25 =	sadd.s32 $0x1, s25;
	v21 =	vld [tilespmem:s19+$0xFFFFFFF0]  }
0x13d: {  	v22 =	vld [tilespmem:s13+$0xFFFFFFE0];
	v5 =	vadd.f32 v7, v5  }
0x13e: {  	v52 =	vld [tilespmem:s13+$0xFFFFFFF0];
	v10 =	vadd.f32 v12, v10;
	v8 =	vadd.f32 v9, v8  }
0x13f: {  	v53 =	vadd.f32 v16, v14;
	v11 =	vadd.f32 v13, v11  }
0x140: {  	v54 =	vld [tilespmem:s24+$0x10];
	v55 =	vadd.f32 v17, v15;
	v56 =	vadd.f32 v20, v18  }
0x141: {  	v3 =	vsub.f32 v5, v3;
	v57 =	vadd.f32 v21, v19  }
0x142: {  	v58 =	vld [tilespmem:s24+$0x30];
	v4 =	vsub.f32 v53, v4;
	v6 =	vsub.f32 v55, v6  }
0x143: {  	v59 =	vsub.f32 v56, v22;
	v7 =	vsub.f32 v57, v52  }
0x144: {  	v1 =	vsub.f32 v10, v1;
	v4 =	vand.u32 $0x7FFFFFFF, v4;
	v6 =	vand.u32 $0x7FFFFFFF, v6  }
0x145: {  	v60 =	vsub.f32 v11, v54;
	v9 =	vand.u32 $0x7FFFFFFF, v59;
	v7 =	vand.u32 $0x7FFFFFFF, v7  }
0x146: {  	v4 =	vadd.f32 v9, v4;
	v6 =	vadd.f32 v7, v6  }
0x147: {  	v1 =	vand.u32 $0x7FFFFFFF, v1;
	v5 =	vsub.f32 v8, v58;
	v61 =	vand.u32 $0x7FFFFFFF, v60  }
0x148: {  	v1 =	vadd.f32 v1, v4;
	v62 =	vadd.f32 v61, v6  }
0x149: {  	v3 =	vand.u32 $0x7FFFFFFF, v3;
	v5 =	vand.u32 $0x7FFFFFFF, v5  }
0x14a: {  	v1 =	vadd.f32 v3, v1;
	v3 =	vadd.f32 v5, v62;
	_ =	sdelay $0x1  }
0x14b: {  	v1 =	vadd.f32 v3, v1;
	_ =	sdelay $0x1  }
0x14c: {  	(xrf2) =	vadd.scan.msk.f32 $0xffff, v1;
	_ =	sdelay $0x8  }
0x14d: {  	v1, _, _ =	vpop (xrf2)  }
0x14e: {  	s25 =	sshll.u32 s31, $0x4;
	s31 =	sadd.s32 $0x1, s31;
	v3 =	vmov s23;
	v1 =	vbroadcast v1, $0xF;
	v63, _, _ =	vpop (xrf2)  }
0x14f: {  	p0 =	sne.s32 s31, $0x8;
	vm0 =	veq.s32 v3, v0;
	v3 =	vmov s22;
	v4 =	vbroadcast v63, $0xF  }
.Ltmp5:
0x150: {  	vm15 =	veq.s32 v3, v0;
	v1 =	vsel vm0, v1, v2;
	(pc) =	sbr.rel @p0 .LBB2_10-.Ltmp5, $4  }
0x151: {  	v1 =	vsel vm15, v4, v1  }
0x152: {  	v1 =	vsub.f32 $0.0e+00, v1  }
0x153: {  	s13 =	sand.u32 $0x3FFFFFF0, s25  }
0x154: {  	s2 =	sadd.s32 $0x800, s2;
	s0 =	sadd.s32 $0x800, s0;
	s11 =	sadd.s32 $0x800, s11;
	[tilespmem:s13+$0x18700] =	vst v1  }
0x155: {  	_ =	swait.ge [sflag:s21], $0x4000  }
0x156: {  	[sflag:s21] =	ssyncset.done $0x0  }
0x157: {  	[sflag:s21] =	ssyncadd.s32 $0xFFFFC000  }
0x158: {  	_ =	swait.ge [sflag:s21], $0x4000  }
0x159: {  	[sflag:s21] =	ssyncset.done $0x0  }
0x15a: {  	[sflag:s21] =	ssyncadd.s32 $0xFFFFC000  }
0x15b: {  	_ =	swait.ge [sflag:s21], $0x4000  }
0x15c: {  	s31 =	simm.s32 $0x0;
	s2 =	simm.s32 $0xC640;
	[sflag:s21] =	ssyncset.done $0x0  }
0x15d: {  	s0 =	simm.s32 $0x10640;
	s11 =	simm.s32 $0x14640;
	[sflag:s21] =	ssyncadd.s32 $0xFFFFC000  }
.LBB2_14:
0x15e: {  	v2 =	vld [tilespmem:s11+$0x20]  }
0x15f: {  	v11 =	vld [tilespmem:s11+$0x0]  }
0x160: {  	v4 =	vld [tilespmem:s2+$0x20]  }
0x161: {  	v5 =	vld [tilespmem:s0+$0x20]  }
0x162: {  	v6 =	vld [tilespmem:s2+$0x30]  }
0x163: {  	v7 =	vld [tilespmem:s0+$0x30]  }
0x164: {  	v10 =	vld [tilespmem:s11+$0xFFFFFFC0]  }
0x165: {  	v12 =	vld [tilespmem:s11+$0xFFFFFFD0]  }
0x166: {  	v8 =	vld [tilespmem:s2+$0x0]  }
0x167: {  	v9 =	vld [tilespmem:s0+$0x0]  }
0x168: {  	v13 =	vld [tilespmem:s2+$0x10]  }
0x169: {  	v14 =	vld [tilespmem:s0+$0x10]  }
0x16a: {  	v15 =	vld [tilespmem:s2+$0xFFFFFFC0]  }
0x16b: {  	v16 =	vld [tilespmem:s0+$0xFFFFFFC0]  }
0x16c: {  	v17 =	vld [tilespmem:s2+$0xFFFFFFD0]  }
0x16d: {  	v18 =	vld [tilespmem:s0+$0xFFFFFFD0]  }
0x16e: {  	v19 =	vld [tilespmem:s2+$0xFFFFFFE0]  }
0x16f: {  	v20 =	vld [tilespmem:s0+$0xFFFFFFE0]  }
0x170: {  	v21 =	vld [tilespmem:s2+$0xFFFFFFF0]  }
0x171: {  	v22 =	vld [tilespmem:s0+$0xFFFFFFF0]  }
0x172: {  	v23 =	vld [tilespmem:s11+$0xFFFFFFE0];
	v4 =	vadd.f32 v5, v4  }
0x173: {  	v24 =	vld [tilespmem:s11+$0xFFFFFFF0];
	v27 =	vadd.f32 v9, v8;
	v28 =	vadd.f32 v7, v6  }
0x174: {  	v25 =	vld [tilespmem:s11+$0x10];
	v6 =	vadd.f32 v16, v15;
	v13 =	vadd.f32 v14, v13  }
0x175: {  	s13 =	sadd.s32 $0x80, s11;
	v26 =	vld [tilespmem:s11+$0x30];
	v14 =	vadd.f32 v18, v17;
	v15 =	vadd.f32 v20, v19  }
0x176: {  	v3 =	vld [tilespmem:s13+$0x20];
	v16 =	vadd.f32 v22, v21;
	v2 =	vsub.f32 v4, v2  }
0x177: {  	s17 =	sadd.s32 $0x80, s2;
	v1 =	vld [tilespmem:s13+$0x0];
	v17 =	vsub.f32 v6, v10;
	v14 =	vsub.f32 v14, v12  }
0x178: {  	s19 =	sadd.s32 $0x80, s0;
	v5 =	vld [tilespmem:s17+$0x20];
	v15 =	vsub.f32 v15, v23;
	v16 =	vsub.f32 v16, v24  }
0x179: {  	v7 =	vld [tilespmem:s19+$0x20];
	v18 =	vsub.f32 v27, v11;
	v19 =	vsub.f32 v13, v25;
	v17 =	vand.u32 $0x7FFFFFFF, v17  }
0x17a: {  	v8 =	vld [tilespmem:s17+$0x30];
	v13 =	vand.u32 $0x7FFFFFFF, v14;
	v14 =	vand.u32 $0x7FFFFFFF, v15;
	v15 =	vand.u32 $0x7FFFFFFF, v16  }
0x17b: {  	v9 =	vld [tilespmem:s19+$0x30];
	v16 =	vadd.f32 v14, v17;
	v15 =	vadd.f32 v15, v13  }
0x17c: {  	v20 =	vld [tilespmem:s19+$0xFFFFFFE0];
	v17 =	vand.u32 $0x7FFFFFFF, v18;
	v18 =	vand.u32 $0x7FFFFFFF, v19;
	v19 =	vsub.f32 v28, v26  }
0x17d: {  	v4 =	vld [tilespmem:s13+$0xFFFFFFC0];
	v17 =	vadd.f32 v17, v16;
	v18 =	vadd.f32 v18, v15  }
0x17e: {  	v6 =	vld [tilespmem:s13+$0xFFFFFFD0];
	v2 =	vand.u32 $0x7FFFFFFF, v2;
	v19 =	vand.u32 $0x7FFFFFFF, v19  }
0x17f: {  	v10 =	vld [tilespmem:s17+$0x0];
	v2 =	vadd.f32 v2, v17;
	v19 =	vadd.f32 v19, v18  }
0x180: {  	v12 =	vld [tilespmem:s19+$0x0]  }
0x181: {  	v11 =	vld [tilespmem:s17+$0x10];
	v21 =	vadd.f32 v19, v2  }
0x182: {  	v13 =	vld [tilespmem:s19+$0x10]  }
0x183: {  	v14 =	vld [tilespmem:s17+$0xFFFFFFC0];
	(xrf2) =	vadd.scan.msk.f32 $0xffff, v21  }
0x184: {  	v16 =	vld [tilespmem:s19+$0xFFFFFFC0]  }
0x185: {  	v15 =	vld [tilespmem:s17+$0xFFFFFFD0]  }
0x186: {  	v17 =	vld [tilespmem:s19+$0xFFFFFFD0]  }
0x187: {  	v18 =	vld [tilespmem:s17+$0xFFFFFFE0]  }
0x188: {  	s22 =	simm.s32 $0x1;
	v19 =	vld [tilespmem:s17+$0xFFFFFFF0]  }
0x189: {  	s25 =	simm.s32 $0x2;
	s23 =	simm.s32 $0x0;
	s24 =	smov.u32 s13;
	v2 =	vimm.f32 $0.0e+00;
	v21 =	vld [tilespmem:s19+$0xFFFFFFF0]  }
.LBB2_15:
0x18a: {  	p0 =	sne.s32 s25, $0xF;
	v22 =	vld [tilespmem:s13+$0xFFFFFFE0];
	v5 =	vadd.f32 v7, v5  }
0x18b: {  	v10 =	vadd.f32 v12, v10;
	v12 =	vadd.f32 v9, v8;
	v7 =	vld [tilespmem:s13+$0xFFFFFFF0]  }
0x18c: {  	v8 =	vadd.f32 v16, v14;
	v11 =	vadd.f32 v13, v11;
	s13 =	sadd.s32 $0x80, s13;
	v9 =	vld [tilespmem:s24+$0x10]  }
0x18d: {  	v14 =	vadd.f32 v17, v15;
	v16 =	vmov s23;
	s23 =	smov.u32 s22;
	s22 =	smov.u32 s25;
	v15 =	vadd.f32 v20, v18;
	v13 =	vld [tilespmem:s13+$0x20];
	v17, _, _ =	vpop (xrf2)  }
0x18e: {  	v18 =	vadd.f32 v21, v19;
	v19 =	vsub.f32 v5, v3;
	v20 =	vld [tilespmem:s24+$0x30];
	v3 =	vbroadcast v17, $0xF;
	s24 =	smov.u32 s13  }
0x18f: {  	s17 =	sadd.s32 $0x80, s17;
	vm0 =	veq.s32 v16, v0;
	v4 =	vsub.f32 v8, v4;
	v6 =	vsub.f32 v14, v6;
	v17 =	vld [tilespmem:s13+$0x0]  }
0x190: {  	s19 =	sadd.s32 $0x80, s19;
	v14 =	vsub.f32 v15, v22;
	v5 =	vld [tilespmem:s17+$0x20];
	v15 =	vsub.f32 v18, v7;
	v2 =	vsel vm0, v3, v2  }
0x191: {  	v16 =	vsub.f32 v10, v1;
	v4 =	vand.u32 $0x7FFFFFFF, v4;
	v7 =	vld [tilespmem:s19+$0x20];
	v10 =	vsub.f32 v11, v9  }
0x192: {  	v6 =	vand.u32 $0x7FFFFFFF, v6;
	v11 =	vand.u32 $0x7FFFFFFF, v14;
	v8 =	vld [tilespmem:s17+$0x30];
	v14 =	vand.u32 $0x7FFFFFFF, v15;
	v3 =	vmovc v13  }
0x193: {  	v11 =	vadd.f32 v11, v4;
	v9 =	vld [tilespmem:s19+$0x30];
	v13 =	vadd.f32 v14, v6  }
0x194: {  	v14 =	vand.u32 $0x7FFFFFFF, v16;
	v10 =	vand.u32 $0x7FFFFFFF, v10;
	v12 =	vsub.f32 v12, v20;
	v4 =	vld [tilespmem:s13+$0xFFFFFFC0];
	v1 =	vmovc v17  }
0x195: {  	v11 =	vadd.f32 v14, v11;
	v6 =	vld [tilespmem:s13+$0xFFFFFFD0];
	v13 =	vadd.f32 v10, v13  }
0x196: {  	v14 =	vand.u32 $0x7FFFFFFF, v19;
	v15 =	vand.u32 $0x7FFFFFFF, v12;
	v10 =	vld [tilespmem:s17+$0x0]  }
0x197: {  	v14 =	vadd.f32 v14, v11;
	v12 =	vld [tilespmem:s19+$0x0];
	v15 =	vadd.f32 v15, v13  }
0x198: {  	v11 =	vld [tilespmem:s17+$0x10]  }
0x199: {  	v13 =	vld [tilespmem:s19+$0x10];
	v15 =	vadd.f32 v15, v14  }
0x19a: {  	v14 =	vld [tilespmem:s17+$0xFFFFFFC0]  }
0x19b: {  	v16 =	vld [tilespmem:s19+$0xFFFFFFC0];
	(xrf2) =	vadd.scan.msk.f32 $0xffff, v15  }
0x19c: {  	v15 =	vld [tilespmem:s17+$0xFFFFFFD0]  }
.Ltmp6:
0x19d: {  	v17 =	vld [tilespmem:s19+$0xFFFFFFD0];
	(pc) =	sbr.rel @p0 .LBB2_15-.Ltmp6, $4  }
0x19e: {  	v18 =	vld [tilespmem:s17+$0xFFFFFFE0]  }
0x19f: {  	v20 =	vld [tilespmem:s19+$0xFFFFFFE0]  }
0x1a0: {  	v19 =	vld [tilespmem:s17+$0xFFFFFFF0]  }
0x1a1: {  	s25 =	sadd.s32 $0x1, s25;
	v21 =	vld [tilespmem:s19+$0xFFFFFFF0]  }
0x1a2: {  	v22 =	vld [tilespmem:s13+$0xFFFFFFE0];
	v5 =	vadd.f32 v7, v5  }
0x1a3: {  	v52 =	vld [tilespmem:s13+$0xFFFFFFF0];
	v10 =	vadd.f32 v12, v10;
	v8 =	vadd.f32 v9, v8  }
0x1a4: {  	v53 =	vadd.f32 v16, v14;
	v11 =	vadd.f32 v13, v11  }
0x1a5: {  	v54 =	vld [tilespmem:s24+$0x10];
	v55 =	vadd.f32 v17, v15;
	v56 =	vadd.f32 v20, v18  }
0x1a6: {  	v3 =	vsub.f32 v5, v3;
	v57 =	vadd.f32 v21, v19  }
0x1a7: {  	v58 =	vld [tilespmem:s24+$0x30];
	v4 =	vsub.f32 v53, v4;
	v6 =	vsub.f32 v55, v6  }
0x1a8: {  	v59 =	vsub.f32 v56, v22;
	v7 =	vsub.f32 v57, v52  }
0x1a9: {  	v1 =	vsub.f32 v10, v1;
	v4 =	vand.u32 $0x7FFFFFFF, v4;
	v6 =	vand.u32 $0x7FFFFFFF, v6  }
0x1aa: {  	v60 =	vsub.f32 v11, v54;
	v9 =	vand.u32 $0x7FFFFFFF, v59;
	v7 =	vand.u32 $0x7FFFFFFF, v7  }
0x1ab: {  	v4 =	vadd.f32 v9, v4;
	v6 =	vadd.f32 v7, v6  }
0x1ac: {  	v1 =	vand.u32 $0x7FFFFFFF, v1;
	v5 =	vsub.f32 v8, v58;
	v61 =	vand.u32 $0x7FFFFFFF, v60  }
0x1ad: {  	v1 =	vadd.f32 v1, v4;
	v62 =	vadd.f32 v61, v6  }
0x1ae: {  	v3 =	vand.u32 $0x7FFFFFFF, v3;
	v5 =	vand.u32 $0x7FFFFFFF, v5  }
0x1af: {  	v1 =	vadd.f32 v3, v1;
	v3 =	vadd.f32 v5, v62;
	_ =	sdelay $0x1  }
0x1b0: {  	v1 =	vadd.f32 v3, v1;
	_ =	sdelay $0x1  }
0x1b1: {  	(xrf2) =	vadd.scan.msk.f32 $0xffff, v1;
	_ =	sdelay $0x8  }
0x1b2: {  	v1, _, _ =	vpop (xrf2)  }
0x1b3: {  	s25 =	sshll.u32 s31, $0x4;
	s31 =	sadd.s32 $0x1, s31;
	v3 =	vmov s23;
	v1 =	vbroadcast v1, $0xF;
	v63, _, _ =	vpop (xrf2)  }
0x1b4: {  	p0 =	sne.s32 s31, $0x8;
	vm0 =	veq.s32 v3, v0;
	v3 =	vmov s22;
	v4 =	vbroadcast v63, $0xF  }
.Ltmp7:
0x1b5: {  	vm15 =	veq.s32 v3, v0;
	v1 =	vsel vm0, v1, v2;
	(pc) =	sbr.rel @p0 .LBB2_14-.Ltmp7, $4  }
0x1b6: {  	v1 =	vsel vm15, v4, v1  }
0x1b7: {  	v1 =	vsub.f32 $0.0e+00, v1  }
0x1b8: {  	s13 =	sand.u32 $0x3FFFFFF0, s25  }
0x1b9: {  	s2 =	sadd.s32 $0x800, s2;
	s0 =	sadd.s32 $0x800, s0;
	s11 =	sadd.s32 $0x800, s11;
	[tilespmem:s13+$0x18780] =	vst v1  }
0x1ba: {  	s30 =	sadd.s32 $0x1, s30  }
0x1bb: {  	p0 =	sne.s32 s30, s7  }
.Ltmp8:
0x1bc: {  	_ = 	snop;
	(pc) =	sbr.rel @p0 .LBB2_1-.Ltmp8, $4  }
0x1bd: {  	[hbm4b:s6+s4] =	stream.linear.scatter [tilespmem:s29], [sflag:$0x3], $0x200, $0x38;
	[tilespmem:$0x18800] =	vst v63  }
0x1be: {  	_ =	swait.ge [sflag:s8], $0x200  }
0x1bf: {  	[sflag:s8] =	ssyncset.done $0x0  }
0x1c0: {  	[sflag:s8] =	ssyncadd.s32 $0xFFFFFE00  }
0x1c1: {  	_ =	sfence.sel $0x180000  }
0x1c2: {  	[bflag:$0x0] =	sbarrier.arrive $0xFFFF  }
0x1c3: {  	_ =	strace $0x90000047  }
0x1c4: {  	s0 =	stileid.u32;
	[bflag:$0x2] =	sbarrier.arrive $0xFFFF  }
0x1c5: {  	p0 =	sne.s32 s0, $0x0;
	s0 =	rddreg [dreg:$0x4]  }
0x1c6: {  	s0 =	sadd.s32 @!p0 $0x100000, s0  }
0x1c7: {  	[sflag:s0] =	ssyncadd.tile.s32 @!p0 $0x1;
	_ =	shalt  }
.Lfunc_end2:
_tile_overlayer_lowered:
.L_overlay_start_2:
0x1c8: {  	(tag) =	ssettag $0x2  }
0x1c9: {  	s0 =	rddreg [dreg:$0x0];
	s2 =	stileid.u32  }
0x1ca: {  	s1 =	rddreg [dreg:$0x1];
	p0 =	sne.s32 s2, $0x0  }
0x1cb: {  	s3 =	rddreg [dreg:$0x2];
	[bflag:$0x3] =	sbarrier.arrive $0xFFFF;
	s2 =	simm.s32 @!p0 $0x1C03  }
0x1cc: {  	[timem:s3], [sflag:s2] =	dma.local @!p0 [hbm:s0], s1  }
0x1cd: {  	s0 =	simm.s32 @!p0 $0x3  }
0x1ce: {  	_ =	swait.ge @!p0 [sflag:s0], s1  }
0x1cf: {  	s1 =	ssub.s32 @!p0 $0x0, s1;
	[sflag:s0] =	ssyncset.done @!p0 $0x0  }
0x1d0: {  	[sflag:s0] =	ssyncadd.s32 @!p0 s1  }
0x1d1: {  	[bflag:$0x3] =	sbarrier.arrive $0xFFFF  }
0x1d2: {  	_ =	shalt  }

</sc_bundles>
